<compile_context>
chip_gen: v7x
topology: tpu7x:2x2x1
jax: 0.10.2.dev20260603
libtpu: 0.0.44.dev20260713+nightly
codegen_flags: <defaults>
</compile_context>

<pallas_src>
import functools

import jax
import jax.numpy as jnp
from jax import lax
from jax.experimental import pallas as pl
from jax.experimental.pallas import tpu as pltpu
from jax.experimental.pallas import tpu_sc as plsc

NUM_EMBEDDINGS = 1000000
D = 64
LN_EPS = 1e-5
N = 4096 * 200

NUM_CORES = 2
NUM_SUBCORES = 16
NW = NUM_CORES * NUM_SUBCORES
PER_W = N // NW
C = 256
CHUNKS = PER_W // C
GROUPS = C // 16
G_SPLIT = C // 128
INV_D = 1.0 / D


def _rsqrt(x):
    i = plsc.bitcast(x, jnp.int32)
    i = jnp.int32(0x5F3759DF) - (i >> 1)
    y = plsc.bitcast(i, jnp.float32)
    for _ in range(2):
        y = y * (1.5 - 0.5 * x * y * y)
    return y


def _make_kernel():
    mesh = plsc.VectorSubcoreMesh(core_axis_name="c", subcore_axis_name="s")

    @functools.partial(
        pl.kernel,
        mesh=mesh,
        out_type=jax.ShapeDtypeStruct((N, 2 * D), jnp.float32),
        scratch_types=[
            pltpu.VMEM((PER_W,), jnp.int32),
            pltpu.VMEM((C, 2 * D), jnp.float32),
            pltpu.VMEM((C, 2 * D), jnp.float32),
            pltpu.VMEM((C, D), jnp.float32),
            pltpu.VMEM((C, D), jnp.float32),
            pltpu.VMEM((D,), jnp.float32),
            pltpu.VMEM((D,), jnp.float32),
            pltpu.SemaphoreType.DMA,
            pltpu.SemaphoreType.DMA,
            pltpu.SemaphoreType.DMA,
            pltpu.SemaphoreType.DMA,
        ],
        compiler_params=pltpu.CompilerParams(
            needs_layout_passes=False, use_tc_tiling_on_sc=False
        ),
    )
    def k(idx_hbm, table_hbm, gamma_hbm, beta_hbm, out_hbm,
          idx_all, rows0, rows1, ob0, ob1, g_v, b_v,
          gsem0, gsem1, osem0, osem1):
        wid = lax.axis_index("s") * NUM_CORES + lax.axis_index("c")
        base = wid * PER_W
        pltpu.sync_copy(idx_hbm.at[pl.ds(base, PER_W)], idx_all)
        pltpu.sync_copy(gamma_hbm, g_v)
        pltpu.sync_copy(beta_hbm, b_v)
        gq = [g_v[pl.ds(q * 16, 16)] for q in range(4)]
        bq = [b_v[pl.ds(q * 16, 16)] for q in range(4)]

        lanes16 = jnp.arange(16, dtype=jnp.int32)
        rows_bufs = (rows0, rows1)
        out_bufs = (ob0, ob1)
        gsems = (gsem0, gsem1)
        osems = (osem0, osem1)

        def clamp_and_fire(ci, b):
            for j in range(C // 16):
                sl = pl.ds(ci * C + j * 16, 16)
                idx_all[sl] = jnp.minimum(idx_all[sl], NUM_EMBEDDINGS - 1)
            for h in range(G_SPLIT):
                src = table_hbm.at[idx_all.at[pl.ds(ci * C + h * 128, 128)]]
                pltpu.async_copy(src, rows_bufs[b].at[pl.ds(h * 128, 128)],
                                 gsems[b])

        def wait_gather(b):
            for h in range(G_SPLIT):
                pltpu.make_async_copy(
                    table_hbm.at[idx_all.at[pl.ds(h * 128, 128)]],
                    rows_bufs[b].at[pl.ds(h * 128, 128)],
                    gsems[b],
                ).wait()

        def fire_out(ci, b):
            pltpu.async_copy(
                out_bufs[b],
                out_hbm.at[pl.ds(base + ci * C, C), pl.ds(0, D)], osems[b])

        def wait_out(b):
            pltpu.make_async_copy(
                out_bufs[b],
                out_hbm.at[pl.ds(base, C), pl.ds(0, D)], osems[b]).wait()

        lane15 = jnp.full((16,), 15, jnp.int32)

        def compute(b):
            rows_ref = rows_bufs[b]
            ob_ref = out_bufs[b]

            @plsc.parallel_loop(0, C, unroll=4)
            def row_body(r):
                v = [rows_ref[r, pl.ds(q * 16, 16)] for q in range(4)]
                s = (v[0] + v[1]) + (v[2] + v[3])
                tot = jnp.take_along_axis(plsc.cumsum(s), lane15, axis=0)
                sq = [x * x for x in v]
                s2 = (sq[0] + sq[1]) + (sq[2] + sq[3])
                tot2 = jnp.take_along_axis(plsc.cumsum(s2), lane15, axis=0)
                mean = tot * INV_D
                var = jnp.maximum(tot2 * INV_D - mean * mean, 0.0) + LN_EPS
                rs = _rsqrt(var)
                mr = mean * rs
                for q in range(4):
                    ob_ref[r, pl.ds(q * 16, 16)] = \
                        (v[q] * rs - mr) * gq[q] + bq[q]

        clamp_and_fire(0, 0)

        def pair_body(cp, carry):
            for b in (0, 1):
                ci = cp * 2 + b
                wait_gather(b)
                pl.when(ci + 1 < CHUNKS)(
                    functools.partial(clamp_and_fire, ci + 1, 1 - b))
                pl.when(ci >= 2)(functools.partial(wait_out, b))
                compute(b)
                fire_out(ci, b)
            return carry

        lax.fori_loop(0, CHUNKS // 2, pair_body, 0)
        wait_out(0)
        wait_out(1)

    return k


_kernel_fn = _make_kernel()

BT = 16384


def _tc_pad_body(tt_ref, out_ref):
    out_ref[:, :D] = tt_ref[...].T
    out_ref[:, D:] = jnp.zeros((BT, D), jnp.float32)


_tc_pad = pl.pallas_call(
    _tc_pad_body,
    grid=((NUM_EMBEDDINGS + BT - 1) // BT,),
    in_specs=[pl.BlockSpec((D, BT), lambda i: (0, i))],
    out_specs=pl.BlockSpec((BT, 2 * D), lambda i: (i, 0)),
    out_shape=jax.ShapeDtypeStruct((NUM_EMBEDDINGS, 2 * D), jnp.float32),
)


def kernel(emb_indices, table, gamma, beta):
    flat_idx = emb_indices.reshape(-1)
    tpad = _tc_pad(table.T)
    out = _kernel_fn(flat_idx, tpad, gamma, beta)
    return out[:, :D].reshape(*emb_indices.shape, D)

# --- scband reference (transcript-rebuilt; emitter-appended) ---
"""Pipeline reference for scband-learnable-embedding-2173253452363 (READ-ONLY COPY).

The authoritative reference and input builder live on the scoring server;
editing this copy changes nothing except your own understanding.
"""

import jax, jax.numpy as jnp
import numpy as np

NUM_EMBEDDINGS = 1000000
EMBEDDING_DIM = 64
LN_EPS = 1e-5


def setup_inputs(seed: int = 0) -> dict:
    key = jax.random.key(seed)
    k1, k2, k3 = jax.random.split(key, 3)
    emb_indices = jax.random.randint(k1, (4096, 200), 0, NUM_EMBEDDINGS)
    table = jax.random.normal(k2, (NUM_EMBEDDINGS, EMBEDDING_DIM), dtype=jnp.float32)
    gamma = jnp.ones((EMBEDDING_DIM,), dtype=jnp.float32)
    beta = jnp.zeros((EMBEDDING_DIM,), dtype=jnp.float32)
    return {"emb_indices": emb_indices, "table": table, "gamma": gamma, "beta": beta}


def reference(emb_indices, table, gamma, beta):
    input_shape = emb_indices.shape
    flat_idx = emb_indices.reshape(-1)
    # truncate indices to fit the finite embedding space
    flat_idx = jnp.minimum(flat_idx, NUM_EMBEDDINGS - 1)
    # embedding gather
    embeddings = jnp.take(table, flat_idx, axis=0)
    # LayerNorm over last dim
    mean = jnp.mean(embeddings, axis=-1, keepdims=True)
    var = jnp.var(embeddings, axis=-1, keepdims=True)
    normed = (embeddings - mean) / jnp.sqrt(var + LN_EPS)
    out = normed * gamma + beta
    # dropout is identity (dropout=None / eval mode)
    out = out.reshape(*input_shape, EMBEDDING_DIM)
    return out

if __name__ == "__main__":
    import jax
    _d = setup_inputs()
    print(jax.jit(kernel)(*tuple(_d.values())))

</pallas_src>

<mosaic_0001>
#map = affine_map<(d0, d1) -> (0)>
#map1 = affine_map<(d0, d1) -> (0, 0)>
module attributes {stable_mosaic.version = 14 : i64} {
  func.func @k(%arg0: i32, %arg1: i32, %arg2: memref<819200xi32, #tpu.memory_space<hbm>>, %arg3: memref<1000000x128xf32, #tpu.memory_space<hbm>>, %arg4: memref<64xf32, #tpu.memory_space<hbm>>, %arg5: memref<64xf32, #tpu.memory_space<hbm>>, %arg6: memref<819200x128xf32, #tpu.memory_space<hbm>>, %arg7: memref<25600xi32, #tpu.memory_space<vmem>>, %arg8: memref<256x128xf32, #tpu.memory_space<vmem>>, %arg9: memref<256x128xf32, #tpu.memory_space<vmem>>, %arg10: memref<256x64xf32, #tpu.memory_space<vmem>>, %arg11: memref<256x64xf32, #tpu.memory_space<vmem>>, %arg12: memref<64xf32, #tpu.memory_space<vmem>>, %arg13: memref<64xf32, #tpu.memory_space<vmem>>, %arg14: memref<!tpu.dma_semaphore, #tpu.memory_space<semaphore_mem>>, %arg15: memref<!tpu.dma_semaphore, #tpu.memory_space<semaphore_mem>>, %arg16: memref<!tpu.dma_semaphore, #tpu.memory_space<semaphore_mem>>, %arg17: memref<!tpu.dma_semaphore, #tpu.memory_space<semaphore_mem>>) attributes {dimension_semantics = [#tpu.dimension_semantics<core_parallel>, #tpu.dimension_semantics<subcore_parallel>], iteration_bounds = array<i64: 2, 16>, scalar_prefetch = 0 : i64, scratch_operands = 11 : i64, tpu.core_type = #tpu.core_type<sc_vector_subcore>, window_params = [{transform_indices = #map}, {transform_indices = #map1}, {transform_indices = #map}, {transform_indices = #map}, {transform_indices = #map1}]} {
    %mul3A = arith.constant 2 : i32
    %mul3A_0 = arith.muli %arg1, %mul3A : i32
    %add3A = arith.addi %mul3A_0, %arg0 : i32
    %mul3A_1 = arith.constant 25600 : i32
    %mul3A_2 = arith.muli %add3A, %mul3A_1 : i32
    "tpu.region"() ({
      %run_scoped3A = tpu.sem_alloc : memref<!tpu.dma_semaphore, #tpu.memory_space<semaphore_mem>>
      %dma_start3A_156 = tpu.memref_slice %arg2[%mul3A_2] : memref<819200xi32, #tpu.memory_space<hbm>> -> memref<25600xi32, #tpu.memory_space<hbm>>
      %dma_start3A_157 = tpu.memref_slice %arg2[%mul3A_2] : memref<819200xi32, #tpu.memory_space<hbm>> -> memref<25600xi32, #tpu.memory_space<hbm>>
      tpu.enqueue_dma source(%dma_start3A_157 : memref<25600xi32, #tpu.memory_space<hbm>>) target(%arg7 : memref<25600xi32, #tpu.memory_space<vmem>>) target_semaphore(%run_scoped3A : memref<!tpu.dma_semaphore, #tpu.memory_space<semaphore_mem>>)
      %dma_wait3A_158 = tpu.memref_slice %arg2[%mul3A_2] : memref<819200xi32, #tpu.memory_space<hbm>> -> memref<25600xi32, #tpu.memory_space<hbm>>
      %dma_wait3A_159 = tpu.memref_slice %arg2[%mul3A_2] : memref<819200xi32, #tpu.memory_space<hbm>> -> memref<25600xi32, #tpu.memory_space<hbm>>
      tpu.wait_dma2 semaphore(%run_scoped3A : memref<!tpu.dma_semaphore, #tpu.memory_space<semaphore_mem>>) src(%dma_wait3A_159 : memref<25600xi32, #tpu.memory_space<hbm>>) dst(%arg7 : memref<25600xi32, #tpu.memory_space<vmem>>)
      tpu.yield
    }) : () -> ()
    "tpu.region"() ({
      %run_scoped3A = tpu.sem_alloc : memref<!tpu.dma_semaphore, #tpu.memory_space<semaphore_mem>>
      tpu.enqueue_dma source(%arg4 : memref<64xf32, #tpu.memory_space<hbm>>) target(%arg12 : memref<64xf32, #tpu.memory_space<vmem>>) target_semaphore(%run_scoped3A : memref<!tpu.dma_semaphore, #tpu.memory_space<semaphore_mem>>)
      tpu.wait_dma2 semaphore(%run_scoped3A : memref<!tpu.dma_semaphore, #tpu.memory_space<semaphore_mem>>) src(%arg4 : memref<64xf32, #tpu.memory_space<hbm>>) dst(%arg12 : memref<64xf32, #tpu.memory_space<vmem>>)
      tpu.yield
    }) : () -> ()
    "tpu.region"() ({
      %run_scoped3A = tpu.sem_alloc : memref<!tpu.dma_semaphore, #tpu.memory_space<semaphore_mem>>
      tpu.enqueue_dma source(%arg5 : memref<64xf32, #tpu.memory_space<hbm>>) target(%arg13 : memref<64xf32, #tpu.memory_space<vmem>>) target_semaphore(%run_scoped3A : memref<!tpu.dma_semaphore, #tpu.memory_space<semaphore_mem>>)
      tpu.wait_dma2 semaphore(%run_scoped3A : memref<!tpu.dma_semaphore, #tpu.memory_space<semaphore_mem>>) src(%arg5 : memref<64xf32, #tpu.memory_space<hbm>>) dst(%arg13 : memref<64xf32, #tpu.memory_space<vmem>>)
      tpu.yield
    }) : () -> ()
    %get3A = arith.constant 0 : index
    %get3A_3 = tpu.vector_load %arg12[%get3A] {strides = array<i32>} : memref<64xf32, #tpu.memory_space<vmem>>, vector<16xf32>,
    %get3A_4 = arith.constant 16 : index
    %get3A_5 = tpu.vector_load %arg12[%get3A_4] {strides = array<i32>} : memref<64xf32, #tpu.memory_space<vmem>>, vector<16xf32>,
    %get3A_6 = arith.constant 32 : index
    %get3A_7 = tpu.vector_load %arg12[%get3A_6] {strides = array<i32>} : memref<64xf32, #tpu.memory_space<vmem>>, vector<16xf32>,
    %get3A_8 = arith.constant 48 : index
    %get3A_9 = tpu.vector_load %arg12[%get3A_8] {strides = array<i32>} : memref<64xf32, #tpu.memory_space<vmem>>, vector<16xf32>,
    %get3A_10 = arith.constant 0 : index
    %get3A_11 = tpu.vector_load %arg13[%get3A_10] {strides = array<i32>} : memref<64xf32, #tpu.memory_space<vmem>>, vector<16xf32>,
    %get3A_12 = arith.constant 16 : index
    %get3A_13 = tpu.vector_load %arg13[%get3A_12] {strides = array<i32>} : memref<64xf32, #tpu.memory_space<vmem>>, vector<16xf32>,
    %get3A_14 = arith.constant 32 : index
    %get3A_15 = tpu.vector_load %arg13[%get3A_14] {strides = array<i32>} : memref<64xf32, #tpu.memory_space<vmem>>, vector<16xf32>,
    %get3A_16 = arith.constant 48 : index
    %get3A_17 = tpu.vector_load %arg13[%get3A_16] {strides = array<i32>} : memref<64xf32, #tpu.memory_space<vmem>>, vector<16xf32>,
    %iota3A = tpu.iota {dimensions = array<i32: 0>} : vector<16xi32>
    %broadcast_in_dim3A = arith.constant 15 : i32
    %broadcast_in_dim3A_18 = vector.broadcast %broadcast_in_dim3A : i32 to vector<16xi32>
    %get3A_19 = arith.constant 0 : index
    %get3A_20 = tpu.vector_load %arg7[%get3A_19] {strides = array<i32>} : memref<25600xi32, #tpu.memory_space<vmem>>, vector<16xi32>,
    %min3A = arith.constant 999999 : i32
    %min3A_21 = vector.broadcast %min3A : i32 to vector<16xi32>
    %min3A_22 = arith.minsi %get3A_20, %min3A_21 : vector<16xi32>
    %swap3A = arith.constant 0 : index
    %swap3A_23 = tpu.vector_load %arg7[%swap3A] {strides = array<i32>} : memref<25600xi32, #tpu.memory_space<vmem>>, vector<16xi32>,
    tpu.vector_store %arg7[%swap3A], %min3A_22 {strides = array<i32>} : memref<25600xi32, #tpu.memory_space<vmem>>, vector<16xi32>,
    %get3A_24 = arith.constant 16 : index
    %get3A_25 = tpu.vector_load %arg7[%get3A_24] {strides = array<i32>} : memref<25600xi32, #tpu.memory_space<vmem>>, vector<16xi32>,
    %min3A_26 = arith.constant 999999 : i32
    %min3A_27 = vector.broadcast %min3A_26 : i32 to vector<16xi32>
    %min3A_28 = arith.minsi %get3A_25, %min3A_27 : vector<16xi32>
    %swap3A_29 = arith.constant 16 : index
    %swap3A_30 = tpu.vector_load %arg7[%swap3A_29] {strides = array<i32>} : memref<25600xi32, #tpu.memory_space<vmem>>, vector<16xi32>,
    tpu.vector_store %arg7[%swap3A_29], %min3A_28 {strides = array<i32>} : memref<25600xi32, #tpu.memory_space<vmem>>, vector<16xi32>,
    %get3A_31 = arith.constant 32 : index
    %get3A_32 = tpu.vector_load %arg7[%get3A_31] {strides = array<i32>} : memref<25600xi32, #tpu.memory_space<vmem>>, vector<16xi32>,
    %min3A_33 = arith.constant 999999 : i32
    %min3A_34 = vector.broadcast %min3A_33 : i32 to vector<16xi32>
    %min3A_35 = arith.minsi %get3A_32, %min3A_34 : vector<16xi32>
    %swap3A_36 = arith.constant 32 : index
    %swap3A_37 = tpu.vector_load %arg7[%swap3A_36] {strides = array<i32>} : memref<25600xi32, #tpu.memory_space<vmem>>, vector<16xi32>,
    tpu.vector_store %arg7[%swap3A_36], %min3A_35 {strides = array<i32>} : memref<25600xi32, #tpu.memory_space<vmem>>, vector<16xi32>,
    %get3A_38 = arith.constant 48 : index
    %get3A_39 = tpu.vector_load %arg7[%get3A_38] {strides = array<i32>} : memref<25600xi32, #tpu.memory_space<vmem>>, vector<16xi32>,
    %min3A_40 = arith.constant 999999 : i32
    %min3A_41 = vector.broadcast %min3A_40 : i32 to vector<16xi32>
    %min3A_42 = arith.minsi %get3A_39, %min3A_41 : vector<16xi32>
    %swap3A_43 = arith.constant 48 : index
    %swap3A_44 = tpu.vector_load %arg7[%swap3A_43] {strides = array<i32>} : memref<25600xi32, #tpu.memory_space<vmem>>, vector<16xi32>,
    tpu.vector_store %arg7[%swap3A_43], %min3A_42 {strides = array<i32>} : memref<25600xi32, #tpu.memory_space<vmem>>, vector<16xi32>,
    %get3A_45 = arith.constant 64 : index
    %get3A_46 = tpu.vector_load %arg7[%get3A_45] {strides = array<i32>} : memref<25600xi32, #tpu.memory_space<vmem>>, vector<16xi32>,
    %min3A_47 = arith.constant 999999 : i32
    %min3A_48 = vector.broadcast %min3A_47 : i32 to vector<16xi32>
    %min3A_49 = arith.minsi %get3A_46, %min3A_48 : vector<16xi32>
    %swap3A_50 = arith.constant 64 : index
    %swap3A_51 = tpu.vector_load %arg7[%swap3A_50] {strides = array<i32>} : memref<25600xi32, #tpu.memory_space<vmem>>, vector<16xi32>,
    tpu.vector_store %arg7[%swap3A_50], %min3A_49 {strides = array<i32>} : memref<25600xi32, #tpu.memory_space<vmem>>, vector<16xi32>,
    %get3A_52 = arith.constant 80 : index
    %get3A_53 = tpu.vector_load %arg7[%get3A_52] {strides = array<i32>} : memref<25600xi32, #tpu.memory_space<vmem>>, vector<16xi32>,
    %min3A_54 = arith.constant 999999 : i32
    %min3A_55 = vector.broadcast %min3A_54 : i32 to vector<16xi32>
    %min3A_56 = arith.minsi %get3A_53, %min3A_55 : vector<16xi32>
    %swap3A_57 = arith.constant 80 : index
    %swap3A_58 = tpu.vector_load %arg7[%swap3A_57] {strides = array<i32>} : memref<25600xi32, #tpu.memory_space<vmem>>, vector<16xi32>,
    tpu.vector_store %arg7[%swap3A_57], %min3A_56 {strides = array<i32>} : memref<25600xi32, #tpu.memory_space<vmem>>, vector<16xi32>,
    %get3A_59 = arith.constant 96 : index
    %get3A_60 = tpu.vector_load %arg7[%get3A_59] {strides = array<i32>} : memref<25600xi32, #tpu.memory_space<vmem>>, vector<16xi32>,
    %min3A_61 = arith.constant 999999 : i32
    %min3A_62 = vector.broadcast %min3A_61 : i32 to vector<16xi32>
    %min3A_63 = arith.minsi %get3A_60, %min3A_62 : vector<16xi32>
    %swap3A_64 = arith.constant 96 : index
    %swap3A_65 = tpu.vector_load %arg7[%swap3A_64] {strides = array<i32>} : memref<25600xi32, #tpu.memory_space<vmem>>, vector<16xi32>,
    tpu.vector_store %arg7[%swap3A_64], %min3A_63 {strides = array<i32>} : memref<25600xi32, #tpu.memory_space<vmem>>, vector<16xi32>,
    %get3A_66 = arith.constant 112 : index
    %get3A_67 = tpu.vector_load %arg7[%get3A_66] {strides = array<i32>} : memref<25600xi32, #tpu.memory_space<vmem>>, vector<16xi32>,
    %min3A_68 = arith.constant 999999 : i32
    %min3A_69 = vector.broadcast %min3A_68 : i32 to vector<16xi32>
    %min3A_70 = arith.minsi %get3A_67, %min3A_69 : vector<16xi32>
    %swap3A_71 = arith.constant 112 : index
    %swap3A_72 = tpu.vector_load %arg7[%swap3A_71] {strides = array<i32>} : memref<25600xi32, #tpu.memory_space<vmem>>, vector<16xi32>,
    tpu.vector_store %arg7[%swap3A_71], %min3A_70 {strides = array<i32>} : memref<25600xi32, #tpu.memory_space<vmem>>, vector<16xi32>,
    %get3A_73 = arith.constant 128 : index
    %get3A_74 = tpu.vector_load %arg7[%get3A_73] {strides = array<i32>} : memref<25600xi32, #tpu.memory_space<vmem>>, vector<16xi32>,
    %min3A_75 = arith.constant 999999 : i32
    %min3A_76 = vector.broadcast %min3A_75 : i32 to vector<16xi32>
    %min3A_77 = arith.minsi %get3A_74, %min3A_76 : vector<16xi32>
    %swap3A_78 = arith.constant 128 : index
    %swap3A_79 = tpu.vector_load %arg7[%swap3A_78] {strides = array<i32>} : memref<25600xi32, #tpu.memory_space<vmem>>, vector<16xi32>,
    tpu.vector_store %arg7[%swap3A_78], %min3A_77 {strides = array<i32>} : memref<25600xi32, #tpu.memory_space<vmem>>, vector<16xi32>,
    %get3A_80 = arith.constant 144 : index
    %get3A_81 = tpu.vector_load %arg7[%get3A_80] {strides = array<i32>} : memref<25600xi32, #tpu.memory_space<vmem>>, vector<16xi32>,
    %min3A_82 = arith.constant 999999 : i32
    %min3A_83 = vector.broadcast %min3A_82 : i32 to vector<16xi32>
    %min3A_84 = arith.minsi %get3A_81, %min3A_83 : vector<16xi32>
    %swap3A_85 = arith.constant 144 : index
    %swap3A_86 = tpu.vector_load %arg7[%swap3A_85] {strides = array<i32>} : memref<25600xi32, #tpu.memory_space<vmem>>, vector<16xi32>,
    tpu.vector_store %arg7[%swap3A_85], %min3A_84 {strides = array<i32>} : memref<25600xi32, #tpu.memory_space<vmem>>, vector<16xi32>,
    %get3A_87 = arith.constant 160 : index
    %get3A_88 = tpu.vector_load %arg7[%get3A_87] {strides = array<i32>} : memref<25600xi32, #tpu.memory_space<vmem>>, vector<16xi32>,
    %min3A_89 = arith.constant 999999 : i32
    %min3A_90 = vector.broadcast %min3A_89 : i32 to vector<16xi32>
    %min3A_91 = arith.minsi %get3A_88, %min3A_90 : vector<16xi32>
    %swap3A_92 = arith.constant 160 : index
    %swap3A_93 = tpu.vector_load %arg7[%swap3A_92] {strides = array<i32>} : memref<25600xi32, #tpu.memory_space<vmem>>, vector<16xi32>,
    tpu.vector_store %arg7[%swap3A_92], %min3A_91 {strides = array<i32>} : memref<25600xi32, #tpu.memory_space<vmem>>, vector<16xi32>,
    %get3A_94 = arith.constant 176 : index
    %get3A_95 = tpu.vector_load %arg7[%get3A_94] {strides = array<i32>} : memref<25600xi32, #tpu.memory_space<vmem>>, vector<16xi32>,
    %min3A_96 = arith.constant 999999 : i32
    %min3A_97 = vector.broadcast %min3A_96 : i32 to vector<16xi32>
    %min3A_98 = arith.minsi %get3A_95, %min3A_97 : vector<16xi32>
    %swap3A_99 = arith.constant 176 : index
    %swap3A_100 = tpu.vector_load %arg7[%swap3A_99] {strides = array<i32>} : memref<25600xi32, #tpu.memory_space<vmem>>, vector<16xi32>,
    tpu.vector_store %arg7[%swap3A_99], %min3A_98 {strides = array<i32>} : memref<25600xi32, #tpu.memory_space<vmem>>, vector<16xi32>,
    %get3A_101 = arith.constant 192 : index
    %get3A_102 = tpu.vector_load %arg7[%get3A_101] {strides = array<i32>} : memref<25600xi32, #tpu.memory_space<vmem>>, vector<16xi32>,
    %min3A_103 = arith.constant 999999 : i32
    %min3A_104 = vector.broadcast %min3A_103 : i32 to vector<16xi32>
    %min3A_105 = arith.minsi %get3A_102, %min3A_104 : vector<16xi32>
    %swap3A_106 = arith.constant 192 : index
    %swap3A_107 = tpu.vector_load %arg7[%swap3A_106] {strides = array<i32>} : memref<25600xi32, #tpu.memory_space<vmem>>, vector<16xi32>,
    tpu.vector_store %arg7[%swap3A_106], %min3A_105 {strides = array<i32>} : memref<25600xi32, #tpu.memory_space<vmem>>, vector<16xi32>,
    %get3A_108 = arith.constant 208 : index
    %get3A_109 = tpu.vector_load %arg7[%get3A_108] {strides = array<i32>} : memref<25600xi32, #tpu.memory_space<vmem>>, vector<16xi32>,
    %min3A_110 = arith.constant 999999 : i32
    %min3A_111 = vector.broadcast %min3A_110 : i32 to vector<16xi32>
    %min3A_112 = arith.minsi %get3A_109, %min3A_111 : vector<16xi32>
    %swap3A_113 = arith.constant 208 : index
    %swap3A_114 = tpu.vector_load %arg7[%swap3A_113] {strides = array<i32>} : memref<25600xi32, #tpu.memory_space<vmem>>, vector<16xi32>,
    tpu.vector_store %arg7[%swap3A_113], %min3A_112 {strides = array<i32>} : memref<25600xi32, #tpu.memory_space<vmem>>, vector<16xi32>,
    %get3A_115 = arith.constant 224 : index
    %get3A_116 = tpu.vector_load %arg7[%get3A_115] {strides = array<i32>} : memref<25600xi32, #tpu.memory_space<vmem>>, vector<16xi32>,
    %min3A_117 = arith.constant 999999 : i32
    %min3A_118 = vector.broadcast %min3A_117 : i32 to vector<16xi32>
    %min3A_119 = arith.minsi %get3A_116, %min3A_118 : vector<16xi32>
    %swap3A_120 = arith.constant 224 : index
    %swap3A_121 = tpu.vector_load %arg7[%swap3A_120] {strides = array<i32>} : memref<25600xi32, #tpu.memory_space<vmem>>, vector<16xi32>,
    tpu.vector_store %arg7[%swap3A_120], %min3A_119 {strides = array<i32>} : memref<25600xi32, #tpu.memory_space<vmem>>, vector<16xi32>,
    %get3A_122 = arith.constant 240 : index
    %get3A_123 = tpu.vector_load %arg7[%get3A_122] {strides = array<i32>} : memref<25600xi32, #tpu.memory_space<vmem>>, vector<16xi32>,
    %min3A_124 = arith.constant 999999 : i32
    %min3A_125 = vector.broadcast %min3A_124 : i32 to vector<16xi32>
    %min3A_126 = arith.minsi %get3A_123, %min3A_125 : vector<16xi32>
    %swap3A_127 = arith.constant 240 : index
    %swap3A_128 = tpu.vector_load %arg7[%swap3A_127] {strides = array<i32>} : memref<25600xi32, #tpu.memory_space<vmem>>, vector<16xi32>,
    tpu.vector_store %arg7[%swap3A_127], %min3A_126 {strides = array<i32>} : memref<25600xi32, #tpu.memory_space<vmem>>, vector<16xi32>,
    %dma_start3A = arith.constant 0 : i32
    %dma_start3A_129 = arith.constant 0 : i32
    %dma_start3A_130 = tpu.memref_slice %arg8[%dma_start3A, %dma_start3A_129] : memref<256x128xf32, #tpu.memory_space<vmem>> -> memref<128x128xf32, #tpu.memory_space<vmem>>
    %dma_start3A_131 = arith.constant 0 : i32
    %dma_start3A_132 = tpu.memref_slice %arg7[%dma_start3A_131] : memref<25600xi32, #tpu.memory_space<vmem>> -> memref<128xi32, #tpu.memory_space<vmem>>
    %dma_start3A_133 = arith.constant 0 : i32
    %dma_start3A_134 = arith.constant 0 : i32
    %dma_start3A_135 = tpu.memref_slice %arg3[%dma_start3A_133, %dma_start3A_134] : memref<1000000x128xf32, #tpu.memory_space<hbm>> -> memref<1000000x128xf32, #tpu.memory_space<hbm>>
    tpu.enqueue_indirect_dma source(%dma_start3A_135 : memref<1000000x128xf32, #tpu.memory_space<hbm>>) target(%dma_start3A_130 : memref<128x128xf32, #tpu.memory_space<vmem>>) offsets(%dma_start3A_132 : memref<128xi32, #tpu.memory_space<vmem>>) semaphore(%arg14 : memref<!tpu.dma_semaphore, #tpu.memory_space<semaphore_mem>>)
    %dma_start3A_136 = arith.constant 128 : i32
    %dma_start3A_137 = arith.constant 0 : i32
    %dma_start3A_138 = tpu.memref_slice %arg8[%dma_start3A_136, %dma_start3A_137] : memref<256x128xf32, #tpu.memory_space<vmem>> -> memref<128x128xf32, #tpu.memory_space<vmem>>
    %dma_start3A_139 = arith.constant 128 : i32
    %dma_start3A_140 = tpu.memref_slice %arg7[%dma_start3A_139] : memref<25600xi32, #tpu.memory_space<vmem>> -> memref<128xi32, #tpu.memory_space<vmem>>
    %dma_start3A_141 = arith.constant 0 : i32
    %dma_start3A_142 = arith.constant 0 : i32
    %dma_start3A_143 = tpu.memref_slice %arg3[%dma_start3A_141, %dma_start3A_142] : memref<1000000x128xf32, #tpu.memory_space<hbm>> -> memref<1000000x128xf32, #tpu.memory_space<hbm>>
    tpu.enqueue_indirect_dma source(%dma_start3A_143 : memref<1000000x128xf32, #tpu.memory_space<hbm>>) target(%dma_start3A_138 : memref<128x128xf32, #tpu.memory_space<vmem>>) offsets(%dma_start3A_140 : memref<128xi32, #tpu.memory_space<vmem>>) semaphore(%arg14 : memref<!tpu.dma_semaphore, #tpu.memory_space<semaphore_mem>>)
    %scan3A = arith.constant 0 : i32
    %scan3A_144 = arith.constant 0 : i32
    %scan3A_145 = arith.constant 50 : i32
    %scan3A_146 = arith.addi %scan3A_144, %scan3A_145 : i32
    %scan3A_147 = arith.constant 1 : i32
    scf.for %scan3A_156 = %scan3A_144 to %scan3A_146 step %scan3A_147  : i32 {
      %mul3A_157 = arith.constant 2 : i32
      %mul3A_158 = arith.muli %scan3A_156, %mul3A_157 : i32
      %add3A_159 = arith.constant 0 : i32
      %add3A_160 = arith.addi %mul3A_158, %add3A_159 : i32
      %dma_wait3A_161 = arith.constant 0 : i32
      %dma_wait3A_162 = arith.constant 0 : i32
      %dma_wait3A_163 = tpu.memref_slice %arg8[%dma_wait3A_161, %dma_wait3A_162] : memref<256x128xf32, #tpu.memory_space<vmem>> -> memref<128x128xf32, #tpu.memory_space<vmem>>
      %dma_wait3A_164 = arith.constant 0 : i32
      %dma_wait3A_165 = tpu.memref_slice %arg7[%dma_wait3A_164] : memref<25600xi32, #tpu.memory_space<vmem>> -> memref<128xi32, #tpu.memory_space<vmem>>
      %dma_wait3A_166 = arith.constant 0 : i32
      %dma_wait3A_167 = arith.constant 0 : i32
      %dma_wait3A_168 = tpu.memref_slice %arg3[%dma_wait3A_166, %dma_wait3A_167] : memref<1000000x128xf32, #tpu.memory_space<hbm>> -> memref<1000000x128xf32, #tpu.memory_space<hbm>>
      tpu.wait_indirect_dma semaphore(%arg14 : memref<!tpu.dma_semaphore, #tpu.memory_space<semaphore_mem>>) src(%dma_wait3A_168 : memref<1000000x128xf32, #tpu.memory_space<hbm>>) dst(%dma_wait3A_163 : memref<128x128xf32, #tpu.memory_space<vmem>>)
      %dma_wait3A_169 = arith.constant 128 : i32
      %dma_wait3A_170 = arith.constant 0 : i32
      %dma_wait3A_171 = tpu.memref_slice %arg8[%dma_wait3A_169, %dma_wait3A_170] : memref<256x128xf32, #tpu.memory_space<vmem>> -> memref<128x128xf32, #tpu.memory_space<vmem>>
      %dma_wait3A_172 = arith.constant 128 : i32
      %dma_wait3A_173 = tpu.memref_slice %arg7[%dma_wait3A_172] : memref<25600xi32, #tpu.memory_space<vmem>> -> memref<128xi32, #tpu.memory_space<vmem>>
      %dma_wait3A_174 = arith.constant 0 : i32
      %dma_wait3A_175 = arith.constant 0 : i32
      %dma_wait3A_176 = tpu.memref_slice %arg3[%dma_wait3A_174, %dma_wait3A_175] : memref<1000000x128xf32, #tpu.memory_space<hbm>> -> memref<1000000x128xf32, #tpu.memory_space<hbm>>
      tpu.wait_indirect_dma semaphore(%arg14 : memref<!tpu.dma_semaphore, #tpu.memory_space<semaphore_mem>>) src(%dma_wait3A_176 : memref<1000000x128xf32, #tpu.memory_space<hbm>>) dst(%dma_wait3A_171 : memref<128x128xf32, #tpu.memory_space<vmem>>)
      %add3A_177 = arith.constant 1 : i32
      %add3A_178 = arith.addi %add3A_160, %add3A_177 : i32
      %lt3A = arith.constant 100 : i32
      %lt3A_179 = arith.cmpi slt, %add3A_178, %lt3A : i32
      %add3A_180 = arith.constant 1 : i32
      %add3A_181 = arith.addi %add3A_160, %add3A_180 : i32
      %convert_element_type3A = arith.extui %lt3A_179 : i1 to i32
      %cond3A = arith.constant 0 : i32
      %cond3A_182 = arith.cmpi ne, %convert_element_type3A, %cond3A : i32
      scf.if %cond3A_182 {
        %mul3A_240 = arith.constant 256 : i32
        %mul3A_241 = arith.muli %add3A_181, %mul3A_240 : i32
        %add3A_242 = arith.constant 0 : i32
        %add3A_243 = arith.addi %mul3A_241, %add3A_242 : i32
        %get3A_244 = arith.index_cast %add3A_243 : i32 to index
        %get3A_245 = tpu.vector_load %arg7[%get3A_244] {strides = array<i32>} : memref<25600xi32, #tpu.memory_space<vmem>>, vector<16xi32>,
        %min3A_246 = arith.constant 999999 : i32
        %min3A_247 = vector.broadcast %min3A_246 : i32 to vector<16xi32>
        %min3A_248 = arith.minsi %get3A_245, %min3A_247 : vector<16xi32>
        %swap3A_249 = arith.index_cast %add3A_243 : i32 to index
        %swap3A_250 = tpu.vector_load %arg7[%swap3A_249] {strides = array<i32>} : memref<25600xi32, #tpu.memory_space<vmem>>, vector<16xi32>,
        tpu.vector_store %arg7[%swap3A_249], %min3A_248 {strides = array<i32>} : memref<25600xi32, #tpu.memory_space<vmem>>, vector<16xi32>,
        %mul3A_251 = arith.constant 256 : i32
        %mul3A_252 = arith.muli %add3A_181, %mul3A_251 : i32
        %add3A_253 = arith.constant 16 : i32
        %add3A_254 = arith.addi %mul3A_252, %add3A_253 : i32
        %get3A_255 = arith.index_cast %add3A_254 : i32 to index
        %get3A_256 = tpu.vector_load %arg7[%get3A_255] {strides = array<i32>} : memref<25600xi32, #tpu.memory_space<vmem>>, vector<16xi32>,
        %min3A_257 = arith.constant 999999 : i32
        %min3A_258 = vector.broadcast %min3A_257 : i32 to vector<16xi32>
        %min3A_259 = arith.minsi %get3A_256, %min3A_258 : vector<16xi32>
        %swap3A_260 = arith.index_cast %add3A_254 : i32 to index
        %swap3A_261 = tpu.vector_load %arg7[%swap3A_260] {strides = array<i32>} : memref<25600xi32, #tpu.memory_space<vmem>>, vector<16xi32>,
        tpu.vector_store %arg7[%swap3A_260], %min3A_259 {strides = array<i32>} : memref<25600xi32, #tpu.memory_space<vmem>>, vector<16xi32>,
        %mul3A_262 = arith.constant 256 : i32
        %mul3A_263 = arith.muli %add3A_181, %mul3A_262 : i32
        %add3A_264 = arith.constant 32 : i32
        %add3A_265 = arith.addi %mul3A_263, %add3A_264 : i32
        %get3A_266 = arith.index_cast %add3A_265 : i32 to index
        %get3A_267 = tpu.vector_load %arg7[%get3A_266] {strides = array<i32>} : memref<25600xi32, #tpu.memory_space<vmem>>, vector<16xi32>,
        %min3A_268 = arith.constant 999999 : i32
        %min3A_269 = vector.broadcast %min3A_268 : i32 to vector<16xi32>
        %min3A_270 = arith.minsi %get3A_267, %min3A_269 : vector<16xi32>
        %swap3A_271 = arith.index_cast %add3A_265 : i32 to index
        %swap3A_272 = tpu.vector_load %arg7[%swap3A_271] {strides = array<i32>} : memref<25600xi32, #tpu.memory_space<vmem>>, vector<16xi32>,
        tpu.vector_store %arg7[%swap3A_271], %min3A_270 {strides = array<i32>} : memref<25600xi32, #tpu.memory_space<vmem>>, vector<16xi32>,
        %mul3A_273 = arith.constant 256 : i32
        %mul3A_274 = arith.muli %add3A_181, %mul3A_273 : i32
        %add3A_275 = arith.constant 48 : i32
        %add3A_276 = arith.addi %mul3A_274, %add3A_275 : i32
        %get3A_277 = arith.index_cast %add3A_276 : i32 to index
        %get3A_278 = tpu.vector_load %arg7[%get3A_277] {strides = array<i32>} : memref<25600xi32, #tpu.memory_space<vmem>>, vector<16xi32>,
        %min3A_279 = arith.constant 999999 : i32
        %min3A_280 = vector.broadcast %min3A_279 : i32 to vector<16xi32>
        %min3A_281 = arith.minsi %get3A_278, %min3A_280 : vector<16xi32>
        %swap3A_282 = arith.index_cast %add3A_276 : i32 to index
        %swap3A_283 = tpu.vector_load %arg7[%swap3A_282] {strides = array<i32>} : memref<25600xi32, #tpu.memory_space<vmem>>, vector<16xi32>,
        tpu.vector_store %arg7[%swap3A_282], %min3A_281 {strides = array<i32>} : memref<25600xi32, #tpu.memory_space<vmem>>, vector<16xi32>,
        %mul3A_284 = arith.constant 256 : i32
        %mul3A_285 = arith.muli %add3A_181, %mul3A_284 : i32
        %add3A_286 = arith.constant 64 : i32
        %add3A_287 = arith.addi %mul3A_285, %add3A_286 : i32
        %get3A_288 = arith.index_cast %add3A_287 : i32 to index
        %get3A_289 = tpu.vector_load %arg7[%get3A_288] {strides = array<i32>} : memref<25600xi32, #tpu.memory_space<vmem>>, vector<16xi32>,
        %min3A_290 = arith.constant 999999 : i32
        %min3A_291 = vector.broadcast %min3A_290 : i32 to vector<16xi32>
        %min3A_292 = arith.minsi %get3A_289, %min3A_291 : vector<16xi32>
        %swap3A_293 = arith.index_cast %add3A_287 : i32 to index
        %swap3A_294 = tpu.vector_load %arg7[%swap3A_293] {strides = array<i32>} : memref<25600xi32, #tpu.memory_space<vmem>>, vector<16xi32>,
        tpu.vector_store %arg7[%swap3A_293], %min3A_292 {strides = array<i32>} : memref<25600xi32, #tpu.memory_space<vmem>>, vector<16xi32>,
        %mul3A_295 = arith.constant 256 : i32
        %mul3A_296 = arith.muli %add3A_181, %mul3A_295 : i32
        %add3A_297 = arith.constant 80 : i32
        %add3A_298 = arith.addi %mul3A_296, %add3A_297 : i32
        %get3A_299 = arith.index_cast %add3A_298 : i32 to index
        %get3A_300 = tpu.vector_load %arg7[%get3A_299] {strides = array<i32>} : memref<25600xi32, #tpu.memory_space<vmem>>, vector<16xi32>,
        %min3A_301 = arith.constant 999999 : i32
        %min3A_302 = vector.broadcast %min3A_301 : i32 to vector<16xi32>
        %min3A_303 = arith.minsi %get3A_300, %min3A_302 : vector<16xi32>
        %swap3A_304 = arith.index_cast %add3A_298 : i32 to index
        %swap3A_305 = tpu.vector_load %arg7[%swap3A_304] {strides = array<i32>} : memref<25600xi32, #tpu.memory_space<vmem>>, vector<16xi32>,
        tpu.vector_store %arg7[%swap3A_304], %min3A_303 {strides = array<i32>} : memref<25600xi32, #tpu.memory_space<vmem>>, vector<16xi32>,
        %mul3A_306 = arith.constant 256 : i32
        %mul3A_307 = arith.muli %add3A_181, %mul3A_306 : i32
        %add3A_308 = arith.constant 96 : i32
        %add3A_309 = arith.addi %mul3A_307, %add3A_308 : i32
        %get3A_310 = arith.index_cast %add3A_309 : i32 to index
        %get3A_311 = tpu.vector_load %arg7[%get3A_310] {strides = array<i32>} : memref<25600xi32, #tpu.memory_space<vmem>>, vector<16xi32>,
        %min3A_312 = arith.constant 999999 : i32
        %min3A_313 = vector.broadcast %min3A_312 : i32 to vector<16xi32>
        %min3A_314 = arith.minsi %get3A_311, %min3A_313 : vector<16xi32>
        %swap3A_315 = arith.index_cast %add3A_309 : i32 to index
        %swap3A_316 = tpu.vector_load %arg7[%swap3A_315] {strides = array<i32>} : memref<25600xi32, #tpu.memory_space<vmem>>, vector<16xi32>,
        tpu.vector_store %arg7[%swap3A_315], %min3A_314 {strides = array<i32>} : memref<25600xi32, #tpu.memory_space<vmem>>, vector<16xi32>,
        %mul3A_317 = arith.constant 256 : i32
        %mul3A_318 = arith.muli %add3A_181, %mul3A_317 : i32
        %add3A_319 = arith.constant 112 : i32
        %add3A_320 = arith.addi %mul3A_318, %add3A_319 : i32
        %get3A_321 = arith.index_cast %add3A_320 : i32 to index
        %get3A_322 = tpu.vector_load %arg7[%get3A_321] {strides = array<i32>} : memref<25600xi32, #tpu.memory_space<vmem>>, vector<16xi32>,
        %min3A_323 = arith.constant 999999 : i32
        %min3A_324 = vector.broadcast %min3A_323 : i32 to vector<16xi32>
        %min3A_325 = arith.minsi %get3A_322, %min3A_324 : vector<16xi32>
        %swap3A_326 = arith.index_cast %add3A_320 : i32 to index
        %swap3A_327 = tpu.vector_load %arg7[%swap3A_326] {strides = array<i32>} : memref<25600xi32, #tpu.memory_space<vmem>>, vector<16xi32>,
        tpu.vector_store %arg7[%swap3A_326], %min3A_325 {strides = array<i32>} : memref<25600xi32, #tpu.memory_space<vmem>>, vector<16xi32>,
        %mul3A_328 = arith.constant 256 : i32
        %mul3A_329 = arith.muli %add3A_181, %mul3A_328 : i32
        %add3A_330 = arith.constant 128 : i32
        %add3A_331 = arith.addi %mul3A_329, %add3A_330 : i32
        %get3A_332 = arith.index_cast %add3A_331 : i32 to index
        %get3A_333 = tpu.vector_load %arg7[%get3A_332] {strides = array<i32>} : memref<25600xi32, #tpu.memory_space<vmem>>, vector<16xi32>,
        %min3A_334 = arith.constant 999999 : i32
        %min3A_335 = vector.broadcast %min3A_334 : i32 to vector<16xi32>
        %min3A_336 = arith.minsi %get3A_333, %min3A_335 : vector<16xi32>
        %swap3A_337 = arith.index_cast %add3A_331 : i32 to index
        %swap3A_338 = tpu.vector_load %arg7[%swap3A_337] {strides = array<i32>} : memref<25600xi32, #tpu.memory_space<vmem>>, vector<16xi32>,
        tpu.vector_store %arg7[%swap3A_337], %min3A_336 {strides = array<i32>} : memref<25600xi32, #tpu.memory_space<vmem>>, vector<16xi32>,
        %mul3A_339 = arith.constant 256 : i32
        %mul3A_340 = arith.muli %add3A_181, %mul3A_339 : i32
        %add3A_341 = arith.constant 144 : i32
        %add3A_342 = arith.addi %mul3A_340, %add3A_341 : i32
        %get3A_343 = arith.index_cast %add3A_342 : i32 to index
        %get3A_344 = tpu.vector_load %arg7[%get3A_343] {strides = array<i32>} : memref<25600xi32, #tpu.memory_space<vmem>>, vector<16xi32>,
        %min3A_345 = arith.constant 999999 : i32
        %min3A_346 = vector.broadcast %min3A_345 : i32 to vector<16xi32>
        %min3A_347 = arith.minsi %get3A_344, %min3A_346 : vector<16xi32>
        %swap3A_348 = arith.index_cast %add3A_342 : i32 to index
        %swap3A_349 = tpu.vector_load %arg7[%swap3A_348] {strides = array<i32>} : memref<25600xi32, #tpu.memory_space<vmem>>, vector<16xi32>,
        tpu.vector_store %arg7[%swap3A_348], %min3A_347 {strides = array<i32>} : memref<25600xi32, #tpu.memory_space<vmem>>, vector<16xi32>,
        %mul3A_350 = arith.constant 256 : i32
        %mul3A_351 = arith.muli %add3A_181, %mul3A_350 : i32
        %add3A_352 = arith.constant 160 : i32
        %add3A_353 = arith.addi %mul3A_351, %add3A_352 : i32
        %get3A_354 = arith.index_cast %add3A_353 : i32 to index
        %get3A_355 = tpu.vector_load %arg7[%get3A_354] {strides = array<i32>} : memref<25600xi32, #tpu.memory_space<vmem>>, vector<16xi32>,
        %min3A_356 = arith.constant 999999 : i32
        %min3A_357 = vector.broadcast %min3A_356 : i32 to vector<16xi32>
        %min3A_358 = arith.minsi %get3A_355, %min3A_357 : vector<16xi32>
        %swap3A_359 = arith.index_cast %add3A_353 : i32 to index
        %swap3A_360 = tpu.vector_load %arg7[%swap3A_359] {strides = array<i32>} : memref<25600xi32, #tpu.memory_space<vmem>>, vector<16xi32>,
        tpu.vector_store %arg7[%swap3A_359], %min3A_358 {strides = array<i32>} : memref<25600xi32, #tpu.memory_space<vmem>>, vector<16xi32>,
        %mul3A_361 = arith.constant 256 : i32
        %mul3A_362 = arith.muli %add3A_181, %mul3A_361 : i32
        %add3A_363 = arith.constant 176 : i32
        %add3A_364 = arith.addi %mul3A_362, %add3A_363 : i32
        %get3A_365 = arith.index_cast %add3A_364 : i32 to index
        %get3A_366 = tpu.vector_load %arg7[%get3A_365] {strides = array<i32>} : memref<25600xi32, #tpu.memory_space<vmem>>, vector<16xi32>,
        %min3A_367 = arith.constant 999999 : i32
        %min3A_368 = vector.broadcast %min3A_367 : i32 to vector<16xi32>
        %min3A_369 = arith.minsi %get3A_366, %min3A_368 : vector<16xi32>
        %swap3A_370 = arith.index_cast %add3A_364 : i32 to index
        %swap3A_371 = tpu.vector_load %arg7[%swap3A_370] {strides = array<i32>} : memref<25600xi32, #tpu.memory_space<vmem>>, vector<16xi32>,
        tpu.vector_store %arg7[%swap3A_370], %min3A_369 {strides = array<i32>} : memref<25600xi32, #tpu.memory_space<vmem>>, vector<16xi32>,
        %mul3A_372 = arith.constant 256 : i32
        %mul3A_373 = arith.muli %add3A_181, %mul3A_372 : i32
        %add3A_374 = arith.constant 192 : i32
        %add3A_375 = arith.addi %mul3A_373, %add3A_374 : i32
        %get3A_376 = arith.index_cast %add3A_375 : i32 to index
        %get3A_377 = tpu.vector_load %arg7[%get3A_376] {strides = array<i32>} : memref<25600xi32, #tpu.memory_space<vmem>>, vector<16xi32>,
        %min3A_378 = arith.constant 999999 : i32
        %min3A_379 = vector.broadcast %min3A_378 : i32 to vector<16xi32>
        %min3A_380 = arith.minsi %get3A_377, %min3A_379 : vector<16xi32>
        %swap3A_381 = arith.index_cast %add3A_375 : i32 to index
        %swap3A_382 = tpu.vector_load %arg7[%swap3A_381] {strides = array<i32>} : memref<25600xi32, #tpu.memory_space<vmem>>, vector<16xi32>,
        tpu.vector_store %arg7[%swap3A_381], %min3A_380 {strides = array<i32>} : memref<25600xi32, #tpu.memory_space<vmem>>, vector<16xi32>,
        %mul3A_383 = arith.constant 256 : i32
        %mul3A_384 = arith.muli %add3A_181, %mul3A_383 : i32
        %add3A_385 = arith.constant 208 : i32
        %add3A_386 = arith.addi %mul3A_384, %add3A_385 : i32
        %get3A_387 = arith.index_cast %add3A_386 : i32 to index
        %get3A_388 = tpu.vector_load %arg7[%get3A_387] {strides = array<i32>} : memref<25600xi32, #tpu.memory_space<vmem>>, vector<16xi32>,
        %min3A_389 = arith.constant 999999 : i32
        %min3A_390 = vector.broadcast %min3A_389 : i32 to vector<16xi32>
        %min3A_391 = arith.minsi %get3A_388, %min3A_390 : vector<16xi32>
        %swap3A_392 = arith.index_cast %add3A_386 : i32 to index
        %swap3A_393 = tpu.vector_load %arg7[%swap3A_392] {strides = array<i32>} : memref<25600xi32, #tpu.memory_space<vmem>>, vector<16xi32>,
        tpu.vector_store %arg7[%swap3A_392], %min3A_391 {strides = array<i32>} : memref<25600xi32, #tpu.memory_space<vmem>>, vector<16xi32>,
        %mul3A_394 = arith.constant 256 : i32
        %mul3A_395 = arith.muli %add3A_181, %mul3A_394 : i32
        %add3A_396 = arith.constant 224 : i32
        %add3A_397 = arith.addi %mul3A_395, %add3A_396 : i32
        %get3A_398 = arith.index_cast %add3A_397 : i32 to index
        %get3A_399 = tpu.vector_load %arg7[%get3A_398] {strides = array<i32>} : memref<25600xi32, #tpu.memory_space<vmem>>, vector<16xi32>,
        %min3A_400 = arith.constant 999999 : i32
        %min3A_401 = vector.broadcast %min3A_400 : i32 to vector<16xi32>
        %min3A_402 = arith.minsi %get3A_399, %min3A_401 : vector<16xi32>
        %swap3A_403 = arith.index_cast %add3A_397 : i32 to index
        %swap3A_404 = tpu.vector_load %arg7[%swap3A_403] {strides = array<i32>} : memref<25600xi32, #tpu.memory_space<vmem>>, vector<16xi32>,
        tpu.vector_store %arg7[%swap3A_403], %min3A_402 {strides = array<i32>} : memref<25600xi32, #tpu.memory_space<vmem>>, vector<16xi32>,
        %mul3A_405 = arith.constant 256 : i32
        %mul3A_406 = arith.muli %add3A_181, %mul3A_405 : i32
        %add3A_407 = arith.constant 240 : i32
        %add3A_408 = arith.addi %mul3A_406, %add3A_407 : i32
        %get3A_409 = arith.index_cast %add3A_408 : i32 to index
        %get3A_410 = tpu.vector_load %arg7[%get3A_409] {strides = array<i32>} : memref<25600xi32, #tpu.memory_space<vmem>>, vector<16xi32>,
        %min3A_411 = arith.constant 999999 : i32
        %min3A_412 = vector.broadcast %min3A_411 : i32 to vector<16xi32>
        %min3A_413 = arith.minsi %get3A_410, %min3A_412 : vector<16xi32>
        %swap3A_414 = arith.index_cast %add3A_408 : i32 to index
        %swap3A_415 = tpu.vector_load %arg7[%swap3A_414] {strides = array<i32>} : memref<25600xi32, #tpu.memory_space<vmem>>, vector<16xi32>,
        tpu.vector_store %arg7[%swap3A_414], %min3A_413 {strides = array<i32>} : memref<25600xi32, #tpu.memory_space<vmem>>, vector<16xi32>,
        %mul3A_416 = arith.constant 256 : i32
        %mul3A_417 = arith.muli %add3A_181, %mul3A_416 : i32
        %add3A_418 = arith.constant 0 : i32
        %add3A_419 = arith.addi %mul3A_417, %add3A_418 : i32
        %dma_start3A_420 = arith.constant 0 : i32
        %dma_start3A_421 = arith.constant 0 : i32
        %dma_start3A_422 = tpu.memref_slice %arg9[%dma_start3A_420, %dma_start3A_421] : memref<256x128xf32, #tpu.memory_space<vmem>> -> memref<128x128xf32, #tpu.memory_space<vmem>>
        %dma_start3A_423 = tpu.memref_slice %arg7[%add3A_419] : memref<25600xi32, #tpu.memory_space<vmem>> -> memref<128xi32, #tpu.memory_space<vmem>>
        %dma_start3A_424 = arith.constant 0 : i32
        %dma_start3A_425 = arith.constant 0 : i32
        %dma_start3A_426 = tpu.memref_slice %arg3[%dma_start3A_424, %dma_start3A_425] : memref<1000000x128xf32, #tpu.memory_space<hbm>> -> memref<1000000x128xf32, #tpu.memory_space<hbm>>
        tpu.enqueue_indirect_dma source(%dma_start3A_426 : memref<1000000x128xf32, #tpu.memory_space<hbm>>) target(%dma_start3A_422 : memref<128x128xf32, #tpu.memory_space<vmem>>) offsets(%dma_start3A_423 : memref<128xi32, #tpu.memory_space<vmem>>) semaphore(%arg15 : memref<!tpu.dma_semaphore, #tpu.memory_space<semaphore_mem>>)
        %mul3A_427 = arith.constant 256 : i32
        %mul3A_428 = arith.muli %add3A_181, %mul3A_427 : i32
        %add3A_429 = arith.constant 128 : i32
        %add3A_430 = arith.addi %mul3A_428, %add3A_429 : i32
        %dma_start3A_431 = arith.constant 128 : i32
        %dma_start3A_432 = arith.constant 0 : i32
        %dma_start3A_433 = tpu.memref_slice %arg9[%dma_start3A_431, %dma_start3A_432] : memref<256x128xf32, #tpu.memory_space<vmem>> -> memref<128x128xf32, #tpu.memory_space<vmem>>
        %dma_start3A_434 = tpu.memref_slice %arg7[%add3A_430] : memref<25600xi32, #tpu.memory_space<vmem>> -> memref<128xi32, #tpu.memory_space<vmem>>
        %dma_start3A_435 = arith.constant 0 : i32
        %dma_start3A_436 = arith.constant 0 : i32
        %dma_start3A_437 = tpu.memref_slice %arg3[%dma_start3A_435, %dma_start3A_436] : memref<1000000x128xf32, #tpu.memory_space<hbm>> -> memref<1000000x128xf32, #tpu.memory_space<hbm>>
        tpu.enqueue_indirect_dma source(%dma_start3A_437 : memref<1000000x128xf32, #tpu.memory_space<hbm>>) target(%dma_start3A_433 : memref<128x128xf32, #tpu.memory_space<vmem>>) offsets(%dma_start3A_434 : memref<128xi32, #tpu.memory_space<vmem>>) semaphore(%arg15 : memref<!tpu.dma_semaphore, #tpu.memory_space<semaphore_mem>>)
      } else {
      }
      %ge3A = arith.constant 2 : i32
      %ge3A_183 = arith.cmpi sge, %add3A_160, %ge3A : i32
      %convert_element_type3A_184 = arith.extui %ge3A_183 : i1 to i32
      %cond3A_185 = arith.constant 0 : i32
      %cond3A_186 = arith.cmpi ne, %convert_element_type3A_184, %cond3A_185 : i32
      scf.if %cond3A_186 {
        %dma_wait3A_240 = arith.constant 0 : i32
        %dma_wait3A_241 = tpu.memref_slice %arg6[%mul3A_2, %dma_wait3A_240] : memref<819200x128xf32, #tpu.memory_space<hbm>> -> memref<256x64xf32, #tpu.memory_space<hbm>>
        %dma_wait3A_242 = arith.constant 0 : i32
        %dma_wait3A_243 = tpu.memref_slice %arg6[%mul3A_2, %dma_wait3A_242] : memref<819200x128xf32, #tpu.memory_space<hbm>> -> memref<256x64xf32, #tpu.memory_space<hbm>>
        tpu.wait_dma2 semaphore(%arg16 : memref<!tpu.dma_semaphore, #tpu.memory_space<semaphore_mem>>) src(%arg10 : memref<256x64xf32, #tpu.memory_space<vmem>>) dst(%dma_wait3A_243 : memref<256x64xf32, #tpu.memory_space<hbm>>)
      } else {
      }
      %parallel_loop3A = arith.constant 0 : i32
      %parallel_loop3A_187 = arith.constant 256 : i32
      %parallel_loop3A_188 = arith.constant 1 : i32
      scf.for %parallel_loop3A_240 = %parallel_loop3A to %parallel_loop3A_187 step %parallel_loop3A_188  : i32 {
        %parallel_loop3A_241 = arith.index_cast %parallel_loop3A_240 : i32 to index
        %parallel_loop3A_242 = arith.constant 0 : index
        %parallel_loop3A_243 = tpu.vector_load %arg8[%parallel_loop3A_241, %parallel_loop3A_242] {strides = array<i32>} : memref<256x128xf32, #tpu.memory_space<vmem>>, vector<16xf32>,
        %parallel_loop3A_244 = arith.index_cast %parallel_loop3A_240 : i32 to index
        %parallel_loop3A_245 = arith.constant 16 : index
        %parallel_loop3A_246 = tpu.vector_load %arg8[%parallel_loop3A_244, %parallel_loop3A_245] {strides = array<i32>} : memref<256x128xf32, #tpu.memory_space<vmem>>, vector<16xf32>,
        %parallel_loop3A_247 = arith.index_cast %parallel_loop3A_240 : i32 to index
        %parallel_loop3A_248 = arith.constant 32 : index
        %parallel_loop3A_249 = tpu.vector_load %arg8[%parallel_loop3A_247, %parallel_loop3A_248] {strides = array<i32>} : memref<256x128xf32, #tpu.memory_space<vmem>>, vector<16xf32>,
        %parallel_loop3A_250 = arith.index_cast %parallel_loop3A_240 : i32 to index
        %parallel_loop3A_251 = arith.constant 48 : index
        %parallel_loop3A_252 = tpu.vector_load %arg8[%parallel_loop3A_250, %parallel_loop3A_251] {strides = array<i32>} : memref<256x128xf32, #tpu.memory_space<vmem>>, vector<16xf32>,
        %parallel_loop3A_253 = arith.addf %parallel_loop3A_243, %parallel_loop3A_246 : vector<16xf32>
        %parallel_loop3A_254 = arith.addf %parallel_loop3A_249, %parallel_loop3A_252 : vector<16xf32>
        %parallel_loop3A_255 = arith.addf %parallel_loop3A_253, %parallel_loop3A_254 : vector<16xf32>
        %parallel_loop3A_256 = arith.constant true
        %parallel_loop3A_257 = vector.broadcast %parallel_loop3A_256 : i1 to vector<16xi1>
        %parallel_loop3A_258 = tpu.scan <sum>, %parallel_loop3A_255 masked %parallel_loop3A_257 : vector<16xf32>, vector<16xi1> -> vector<16xf32>
        %parallel_loop3A_259 = arith.constant 0 : i32
        %parallel_loop3A_260 = vector.broadcast %parallel_loop3A_259 : i32 to vector<16xi32>
        %parallel_loop3A_261 = arith.cmpi slt, %broadcast_in_dim3A_18, %parallel_loop3A_260 : vector<16xi32>
        %parallel_loop3A_262 = arith.constant 16 : i32
        %parallel_loop3A_263 = vector.broadcast %parallel_loop3A_262 : i32 to vector<16xi32>
        %parallel_loop3A_264 = arith.addi %broadcast_in_dim3A_18, %parallel_loop3A_263 : vector<16xi32>
        %parallel_loop3A_265 = arith.select %parallel_loop3A_261, %parallel_loop3A_264, %broadcast_in_dim3A_18 : vector<16xi1>, vector<16xi32>
        %parallel_loop3A_266 = vector.shape_cast %parallel_loop3A_265 : vector<16xi32> to vector<16x1xi32>
        %parallel_loop3A_267 = vector.shape_cast %parallel_loop3A_266 : vector<16x1xi32> to vector<16xi32>
        %parallel_loop3A_268 = tpu.dynamic_gather %parallel_loop3A_258[%parallel_loop3A_267] in [0] : vector<16xf32>, vector<16xi32> -> vector<16xf32>
        %parallel_loop3A_269 = arith.mulf %parallel_loop3A_243, %parallel_loop3A_243 : vector<16xf32>
        %parallel_loop3A_270 = arith.mulf %parallel_loop3A_246, %parallel_loop3A_246 : vector<16xf32>
        %parallel_loop3A_271 = arith.mulf %parallel_loop3A_249, %parallel_loop3A_249 : vector<16xf32>
        %parallel_loop3A_272 = arith.mulf %parallel_loop3A_252, %parallel_loop3A_252 : vector<16xf32>
        %parallel_loop3A_273 = arith.addf %parallel_loop3A_269, %parallel_loop3A_270 : vector<16xf32>
        %parallel_loop3A_274 = arith.addf %parallel_loop3A_271, %parallel_loop3A_272 : vector<16xf32>
        %parallel_loop3A_275 = arith.addf %parallel_loop3A_273, %parallel_loop3A_274 : vector<16xf32>
        %parallel_loop3A_276 = arith.constant true
        %parallel_loop3A_277 = vector.broadcast %parallel_loop3A_276 : i1 to vector<16xi1>
        %parallel_loop3A_278 = tpu.scan <sum>, %parallel_loop3A_275 masked %parallel_loop3A_277 : vector<16xf32>, vector<16xi1> -> vector<16xf32>
        %parallel_loop3A_279 = arith.constant 0 : i32
        %parallel_loop3A_280 = vector.broadcast %parallel_loop3A_279 : i32 to vector<16xi32>
        %parallel_loop3A_281 = arith.cmpi slt, %broadcast_in_dim3A_18, %parallel_loop3A_280 : vector<16xi32>
        %parallel_loop3A_282 = arith.constant 16 : i32
        %parallel_loop3A_283 = vector.broadcast %parallel_loop3A_282 : i32 to vector<16xi32>
        %parallel_loop3A_284 = arith.addi %broadcast_in_dim3A_18, %parallel_loop3A_283 : vector<16xi32>
        %parallel_loop3A_285 = arith.select %parallel_loop3A_281, %parallel_loop3A_284, %broadcast_in_dim3A_18 : vector<16xi1>, vector<16xi32>
        %parallel_loop3A_286 = vector.shape_cast %parallel_loop3A_285 : vector<16xi32> to vector<16x1xi32>
        %parallel_loop3A_287 = vector.shape_cast %parallel_loop3A_286 : vector<16x1xi32> to vector<16xi32>
        %parallel_loop3A_288 = tpu.dynamic_gather %parallel_loop3A_278[%parallel_loop3A_287] in [0] : vector<16xf32>, vector<16xi32> -> vector<16xf32>
        %parallel_loop3A_289 = arith.constant 1.562500e-02 : f32
        %parallel_loop3A_290 = vector.broadcast %parallel_loop3A_289 : f32 to vector<16xf32>
        %parallel_loop3A_291 = arith.mulf %parallel_loop3A_268, %parallel_loop3A_290 : vector<16xf32>
        %parallel_loop3A_292 = arith.constant 1.562500e-02 : f32
        %parallel_loop3A_293 = vector.broadcast %parallel_loop3A_292 : f32 to vector<16xf32>
        %parallel_loop3A_294 = arith.mulf %parallel_loop3A_288, %parallel_loop3A_293 : vector<16xf32>
        %parallel_loop3A_295 = arith.mulf %parallel_loop3A_291, %parallel_loop3A_291 : vector<16xf32>
        %parallel_loop3A_296 = arith.subf %parallel_loop3A_294, %parallel_loop3A_295 : vector<16xf32>
        %parallel_loop3A_297 = arith.constant 0.000000e+00 : f32
        %parallel_loop3A_298 = vector.broadcast %parallel_loop3A_297 : f32 to vector<16xf32>
        %parallel_loop3A_299 = arith.maximumf %parallel_loop3A_296, %parallel_loop3A_298 : vector<16xf32>
        %parallel_loop3A_300 = arith.constant 9.99999974E-6 : f32
        %parallel_loop3A_301 = vector.broadcast %parallel_loop3A_300 : f32 to vector<16xf32>
        %parallel_loop3A_302 = arith.addf %parallel_loop3A_299, %parallel_loop3A_301 : vector<16xf32>
        %parallel_loop3A_303 = vector.bitcast %parallel_loop3A_302 : vector<16xf32> to vector<16xi32>
        %parallel_loop3A_304 = arith.constant 1 : i32
        %parallel_loop3A_305 = vector.broadcast %parallel_loop3A_304 : i32 to vector<16xi32>
        %parallel_loop3A_306 = arith.shrsi %parallel_loop3A_303, %parallel_loop3A_305 : vector<16xi32>
        %parallel_loop3A_307 = arith.constant 1597463007 : i32
        %parallel_loop3A_308 = vector.broadcast %parallel_loop3A_307 : i32 to vector<16xi32>
        %parallel_loop3A_309 = arith.subi %parallel_loop3A_308, %parallel_loop3A_306 : vector<16xi32>
        %parallel_loop3A_310 = vector.bitcast %parallel_loop3A_309 : vector<16xi32> to vector<16xf32>
        %parallel_loop3A_311 = arith.constant 5.000000e-01 : f32
        %parallel_loop3A_312 = vector.broadcast %parallel_loop3A_311 : f32 to vector<16xf32>
        %parallel_loop3A_313 = arith.mulf %parallel_loop3A_312, %parallel_loop3A_302 : vector<16xf32>
        %parallel_loop3A_314 = arith.mulf %parallel_loop3A_313, %parallel_loop3A_310 : vector<16xf32>
        %parallel_loop3A_315 = arith.mulf %parallel_loop3A_314, %parallel_loop3A_310 : vector<16xf32>
        %parallel_loop3A_316 = arith.constant 1.500000e+00 : f32
        %parallel_loop3A_317 = vector.broadcast %parallel_loop3A_316 : f32 to vector<16xf32>
        %parallel_loop3A_318 = arith.subf %parallel_loop3A_317, %parallel_loop3A_315 : vector<16xf32>
        %parallel_loop3A_319 = arith.mulf %parallel_loop3A_310, %parallel_loop3A_318 : vector<16xf32>
        %parallel_loop3A_320 = arith.constant 5.000000e-01 : f32
        %parallel_loop3A_321 = vector.broadcast %parallel_loop3A_320 : f32 to vector<16xf32>
        %parallel_loop3A_322 = arith.mulf %parallel_loop3A_321, %parallel_loop3A_302 : vector<16xf32>
        %parallel_loop3A_323 = arith.mulf %parallel_loop3A_322, %parallel_loop3A_319 : vector<16xf32>
        %parallel_loop3A_324 = arith.mulf %parallel_loop3A_323, %parallel_loop3A_319 : vector<16xf32>
        %parallel_loop3A_325 = arith.constant 1.500000e+00 : f32
        %parallel_loop3A_326 = vector.broadcast %parallel_loop3A_325 : f32 to vector<16xf32>
        %parallel_loop3A_327 = arith.subf %parallel_loop3A_326, %parallel_loop3A_324 : vector<16xf32>
        %parallel_loop3A_328 = arith.mulf %parallel_loop3A_319, %parallel_loop3A_327 : vector<16xf32>
        %parallel_loop3A_329 = arith.mulf %parallel_loop3A_291, %parallel_loop3A_328 : vector<16xf32>
        %parallel_loop3A_330 = arith.mulf %parallel_loop3A_243, %parallel_loop3A_328 : vector<16xf32>
        %parallel_loop3A_331 = arith.subf %parallel_loop3A_330, %parallel_loop3A_329 : vector<16xf32>
        %parallel_loop3A_332 = arith.mulf %parallel_loop3A_331, %get3A_3 : vector<16xf32>
        %parallel_loop3A_333 = arith.addf %parallel_loop3A_332, %get3A_11 : vector<16xf32>
        %parallel_loop3A_334 = arith.index_cast %parallel_loop3A_240 : i32 to index
        %parallel_loop3A_335 = arith.constant 0 : index
        %parallel_loop3A_336 = tpu.vector_load %arg10[%parallel_loop3A_334, %parallel_loop3A_335] {strides = array<i32>} : memref<256x64xf32, #tpu.memory_space<vmem>>, vector<16xf32>,
        tpu.vector_store %arg10[%parallel_loop3A_334, %parallel_loop3A_335], %parallel_loop3A_333 {strides = array<i32>} : memref<256x64xf32, #tpu.memory_space<vmem>>, vector<16xf32>,
        %parallel_loop3A_337 = arith.mulf %parallel_loop3A_246, %parallel_loop3A_328 : vector<16xf32>
        %parallel_loop3A_338 = arith.subf %parallel_loop3A_337, %parallel_loop3A_329 : vector<16xf32>
        %parallel_loop3A_339 = arith.mulf %parallel_loop3A_338, %get3A_5 : vector<16xf32>
        %parallel_loop3A_340 = arith.addf %parallel_loop3A_339, %get3A_13 : vector<16xf32>
        %parallel_loop3A_341 = arith.index_cast %parallel_loop3A_240 : i32 to index
        %parallel_loop3A_342 = arith.constant 16 : index
        %parallel_loop3A_343 = tpu.vector_load %arg10[%parallel_loop3A_341, %parallel_loop3A_342] {strides = array<i32>} : memref<256x64xf32, #tpu.memory_space<vmem>>, vector<16xf32>,
        tpu.vector_store %arg10[%parallel_loop3A_341, %parallel_loop3A_342], %parallel_loop3A_340 {strides = array<i32>} : memref<256x64xf32, #tpu.memory_space<vmem>>, vector<16xf32>,
        %parallel_loop3A_344 = arith.mulf %parallel_loop3A_249, %parallel_loop3A_328 : vector<16xf32>
        %parallel_loop3A_345 = arith.subf %parallel_loop3A_344, %parallel_loop3A_329 : vector<16xf32>
        %parallel_loop3A_346 = arith.mulf %parallel_loop3A_345, %get3A_7 : vector<16xf32>
        %parallel_loop3A_347 = arith.addf %parallel_loop3A_346, %get3A_15 : vector<16xf32>
        %parallel_loop3A_348 = arith.index_cast %parallel_loop3A_240 : i32 to index
        %parallel_loop3A_349 = arith.constant 32 : index
        %parallel_loop3A_350 = tpu.vector_load %arg10[%parallel_loop3A_348, %parallel_loop3A_349] {strides = array<i32>} : memref<256x64xf32, #tpu.memory_space<vmem>>, vector<16xf32>,
        tpu.vector_store %arg10[%parallel_loop3A_348, %parallel_loop3A_349], %parallel_loop3A_347 {strides = array<i32>} : memref<256x64xf32, #tpu.memory_space<vmem>>, vector<16xf32>,
        %parallel_loop3A_351 = arith.mulf %parallel_loop3A_252, %parallel_loop3A_328 : vector<16xf32>
        %parallel_loop3A_352 = arith.subf %parallel_loop3A_351, %parallel_loop3A_329 : vector<16xf32>
        %parallel_loop3A_353 = arith.mulf %parallel_loop3A_352, %get3A_9 : vector<16xf32>
        %parallel_loop3A_354 = arith.addf %parallel_loop3A_353, %get3A_17 : vector<16xf32>
        %parallel_loop3A_355 = arith.index_cast %parallel_loop3A_240 : i32 to index
        %parallel_loop3A_356 = arith.constant 48 : index
        %parallel_loop3A_357 = tpu.vector_load %arg10[%parallel_loop3A_355, %parallel_loop3A_356] {strides = array<i32>} : memref<256x64xf32, #tpu.memory_space<vmem>>, vector<16xf32>,
        tpu.vector_store %arg10[%parallel_loop3A_355, %parallel_loop3A_356], %parallel_loop3A_354 {strides = array<i32>} : memref<256x64xf32, #tpu.memory_space<vmem>>, vector<16xf32>,
      } {sc.loop_unroll_factor = 4 : i64, sc.parallel_access}
      %mul3A_189 = arith.constant 256 : i32
      %mul3A_190 = arith.muli %add3A_160, %mul3A_189 : i32
      %add3A_191 = arith.addi %mul3A_2, %mul3A_190 : i32
      %dma_start3A_192 = arith.constant 0 : i32
      %dma_start3A_193 = tpu.memref_slice %arg6[%add3A_191, %dma_start3A_192] : memref<819200x128xf32, #tpu.memory_space<hbm>> -> memref<256x64xf32, #tpu.memory_space<hbm>>
      %dma_start3A_194 = arith.constant 0 : i32
      %dma_start3A_195 = tpu.memref_slice %arg6[%add3A_191, %dma_start3A_194] : memref<819200x128xf32, #tpu.memory_space<hbm>> -> memref<256x64xf32, #tpu.memory_space<hbm>>
      tpu.enqueue_dma source(%arg10 : memref<256x64xf32, #tpu.memory_space<vmem>>) target(%dma_start3A_195 : memref<256x64xf32, #tpu.memory_space<hbm>>) target_semaphore(%arg16 : memref<!tpu.dma_semaphore, #tpu.memory_space<semaphore_mem>>)
      %mul3A_196 = arith.constant 2 : i32
      %mul3A_197 = arith.muli %scan3A_156, %mul3A_196 : i32
      %add3A_198 = arith.constant 1 : i32
      %add3A_199 = arith.addi %mul3A_197, %add3A_198 : i32
      %dma_wait3A_200 = arith.constant 0 : i32
      %dma_wait3A_201 = arith.constant 0 : i32
      %dma_wait3A_202 = tpu.memref_slice %arg9[%dma_wait3A_200, %dma_wait3A_201] : memref<256x128xf32, #tpu.memory_space<vmem>> -> memref<128x128xf32, #tpu.memory_space<vmem>>
      %dma_wait3A_203 = arith.constant 0 : i32
      %dma_wait3A_204 = tpu.memref_slice %arg7[%dma_wait3A_203] : memref<25600xi32, #tpu.memory_space<vmem>> -> memref<128xi32, #tpu.memory_space<vmem>>
      %dma_wait3A_205 = arith.constant 0 : i32
      %dma_wait3A_206 = arith.constant 0 : i32
      %dma_wait3A_207 = tpu.memref_slice %arg3[%dma_wait3A_205, %dma_wait3A_206] : memref<1000000x128xf32, #tpu.memory_space<hbm>> -> memref<1000000x128xf32, #tpu.memory_space<hbm>>
      tpu.wait_indirect_dma semaphore(%arg15 : memref<!tpu.dma_semaphore, #tpu.memory_space<semaphore_mem>>) src(%dma_wait3A_207 : memref<1000000x128xf32, #tpu.memory_space<hbm>>) dst(%dma_wait3A_202 : memref<128x128xf32, #tpu.memory_space<vmem>>)
      %dma_wait3A_208 = arith.constant 128 : i32
      %dma_wait3A_209 = arith.constant 0 : i32
      %dma_wait3A_210 = tpu.memref_slice %arg9[%dma_wait3A_208, %dma_wait3A_209] : memref<256x128xf32, #tpu.memory_space<vmem>> -> memref<128x128xf32, #tpu.memory_space<vmem>>
      %dma_wait3A_211 = arith.constant 128 : i32
      %dma_wait3A_212 = tpu.memref_slice %arg7[%dma_wait3A_211] : memref<25600xi32, #tpu.memory_space<vmem>> -> memref<128xi32, #tpu.memory_space<vmem>>
      %dma_wait3A_213 = arith.constant 0 : i32
      %dma_wait3A_214 = arith.constant 0 : i32
      %dma_wait3A_215 = tpu.memref_slice %arg3[%dma_wait3A_213, %dma_wait3A_214] : memref<1000000x128xf32, #tpu.memory_space<hbm>> -> memref<1000000x128xf32, #tpu.memory_space<hbm>>
      tpu.wait_indirect_dma semaphore(%arg15 : memref<!tpu.dma_semaphore, #tpu.memory_space<semaphore_mem>>) src(%dma_wait3A_215 : memref<1000000x128xf32, #tpu.memory_space<hbm>>) dst(%dma_wait3A_210 : memref<128x128xf32, #tpu.memory_space<vmem>>)
      %add3A_216 = arith.constant 1 : i32
      %add3A_217 = arith.addi %add3A_199, %add3A_216 : i32
      %lt3A_218 = arith.constant 100 : i32
      %lt3A_219 = arith.cmpi slt, %add3A_217, %lt3A_218 : i32
      %add3A_220 = arith.constant 1 : i32
      %add3A_221 = arith.addi %add3A_199, %add3A_220 : i32
      %convert_element_type3A_222 = arith.extui %lt3A_219 : i1 to i32
      %cond3A_223 = arith.constant 0 : i32
      %cond3A_224 = arith.cmpi ne, %convert_element_type3A_222, %cond3A_223 : i32
      scf.if %cond3A_224 {
        %mul3A_240 = arith.constant 256 : i32
        %mul3A_241 = arith.muli %add3A_221, %mul3A_240 : i32
        %add3A_242 = arith.constant 0 : i32
        %add3A_243 = arith.addi %mul3A_241, %add3A_242 : i32
        %get3A_244 = arith.index_cast %add3A_243 : i32 to index
        %get3A_245 = tpu.vector_load %arg7[%get3A_244] {strides = array<i32>} : memref<25600xi32, #tpu.memory_space<vmem>>, vector<16xi32>,
        %min3A_246 = arith.constant 999999 : i32
        %min3A_247 = vector.broadcast %min3A_246 : i32 to vector<16xi32>
        %min3A_248 = arith.minsi %get3A_245, %min3A_247 : vector<16xi32>
        %swap3A_249 = arith.index_cast %add3A_243 : i32 to index
        %swap3A_250 = tpu.vector_load %arg7[%swap3A_249] {strides = array<i32>} : memref<25600xi32, #tpu.memory_space<vmem>>, vector<16xi32>,
        tpu.vector_store %arg7[%swap3A_249], %min3A_248 {strides = array<i32>} : memref<25600xi32, #tpu.memory_space<vmem>>, vector<16xi32>,
        %mul3A_251 = arith.constant 256 : i32
        %mul3A_252 = arith.muli %add3A_221, %mul3A_251 : i32
        %add3A_253 = arith.constant 16 : i32
        %add3A_254 = arith.addi %mul3A_252, %add3A_253 : i32
        %get3A_255 = arith.index_cast %add3A_254 : i32 to index
        %get3A_256 = tpu.vector_load %arg7[%get3A_255] {strides = array<i32>} : memref<25600xi32, #tpu.memory_space<vmem>>, vector<16xi32>,
        %min3A_257 = arith.constant 999999 : i32
        %min3A_258 = vector.broadcast %min3A_257 : i32 to vector<16xi32>
        %min3A_259 = arith.minsi %get3A_256, %min3A_258 : vector<16xi32>
        %swap3A_260 = arith.index_cast %add3A_254 : i32 to index
        %swap3A_261 = tpu.vector_load %arg7[%swap3A_260] {strides = array<i32>} : memref<25600xi32, #tpu.memory_space<vmem>>, vector<16xi32>,
        tpu.vector_store %arg7[%swap3A_260], %min3A_259 {strides = array<i32>} : memref<25600xi32, #tpu.memory_space<vmem>>, vector<16xi32>,
        %mul3A_262 = arith.constant 256 : i32
        %mul3A_263 = arith.muli %add3A_221, %mul3A_262 : i32
        %add3A_264 = arith.constant 32 : i32
        %add3A_265 = arith.addi %mul3A_263, %add3A_264 : i32
        %get3A_266 = arith.index_cast %add3A_265 : i32 to index
        %get3A_267 = tpu.vector_load %arg7[%get3A_266] {strides = array<i32>} : memref<25600xi32, #tpu.memory_space<vmem>>, vector<16xi32>,
        %min3A_268 = arith.constant 999999 : i32
        %min3A_269 = vector.broadcast %min3A_268 : i32 to vector<16xi32>
        %min3A_270 = arith.minsi %get3A_267, %min3A_269 : vector<16xi32>
        %swap3A_271 = arith.index_cast %add3A_265 : i32 to index
        %swap3A_272 = tpu.vector_load %arg7[%swap3A_271] {strides = array<i32>} : memref<25600xi32, #tpu.memory_space<vmem>>, vector<16xi32>,
        tpu.vector_store %arg7[%swap3A_271], %min3A_270 {strides = array<i32>} : memref<25600xi32, #tpu.memory_space<vmem>>, vector<16xi32>,
        %mul3A_273 = arith.constant 256 : i32
        %mul3A_274 = arith.muli %add3A_221, %mul3A_273 : i32
        %add3A_275 = arith.constant 48 : i32
        %add3A_276 = arith.addi %mul3A_274, %add3A_275 : i32
        %get3A_277 = arith.index_cast %add3A_276 : i32 to index
        %get3A_278 = tpu.vector_load %arg7[%get3A_277] {strides = array<i32>} : memref<25600xi32, #tpu.memory_space<vmem>>, vector<16xi32>,
        %min3A_279 = arith.constant 999999 : i32
        %min3A_280 = vector.broadcast %min3A_279 : i32 to vector<16xi32>
        %min3A_281 = arith.minsi %get3A_278, %min3A_280 : vector<16xi32>
        %swap3A_282 = arith.index_cast %add3A_276 : i32 to index
        %swap3A_283 = tpu.vector_load %arg7[%swap3A_282] {strides = array<i32>} : memref<25600xi32, #tpu.memory_space<vmem>>, vector<16xi32>,
        tpu.vector_store %arg7[%swap3A_282], %min3A_281 {strides = array<i32>} : memref<25600xi32, #tpu.memory_space<vmem>>, vector<16xi32>,
        %mul3A_284 = arith.constant 256 : i32
        %mul3A_285 = arith.muli %add3A_221, %mul3A_284 : i32
        %add3A_286 = arith.constant 64 : i32
        %add3A_287 = arith.addi %mul3A_285, %add3A_286 : i32
        %get3A_288 = arith.index_cast %add3A_287 : i32 to index
        %get3A_289 = tpu.vector_load %arg7[%get3A_288] {strides = array<i32>} : memref<25600xi32, #tpu.memory_space<vmem>>, vector<16xi32>,
        %min3A_290 = arith.constant 999999 : i32
        %min3A_291 = vector.broadcast %min3A_290 : i32 to vector<16xi32>
        %min3A_292 = arith.minsi %get3A_289, %min3A_291 : vector<16xi32>
        %swap3A_293 = arith.index_cast %add3A_287 : i32 to index
        %swap3A_294 = tpu.vector_load %arg7[%swap3A_293] {strides = array<i32>} : memref<25600xi32, #tpu.memory_space<vmem>>, vector<16xi32>,
        tpu.vector_store %arg7[%swap3A_293], %min3A_292 {strides = array<i32>} : memref<25600xi32, #tpu.memory_space<vmem>>, vector<16xi32>,
        %mul3A_295 = arith.constant 256 : i32
        %mul3A_296 = arith.muli %add3A_221, %mul3A_295 : i32
        %add3A_297 = arith.constant 80 : i32
        %add3A_298 = arith.addi %mul3A_296, %add3A_297 : i32
        %get3A_299 = arith.index_cast %add3A_298 : i32 to index
        %get3A_300 = tpu.vector_load %arg7[%get3A_299] {strides = array<i32>} : memref<25600xi32, #tpu.memory_space<vmem>>, vector<16xi32>,
        %min3A_301 = arith.constant 999999 : i32
        %min3A_302 = vector.broadcast %min3A_301 : i32 to vector<16xi32>
        %min3A_303 = arith.minsi %get3A_300, %min3A_302 : vector<16xi32>
        %swap3A_304 = arith.index_cast %add3A_298 : i32 to index
        %swap3A_305 = tpu.vector_load %arg7[%swap3A_304] {strides = array<i32>} : memref<25600xi32, #tpu.memory_space<vmem>>, vector<16xi32>,
        tpu.vector_store %arg7[%swap3A_304], %min3A_303 {strides = array<i32>} : memref<25600xi32, #tpu.memory_space<vmem>>, vector<16xi32>,
        %mul3A_306 = arith.constant 256 : i32
        %mul3A_307 = arith.muli %add3A_221, %mul3A_306 : i32
        %add3A_308 = arith.constant 96 : i32
        %add3A_309 = arith.addi %mul3A_307, %add3A_308 : i32
        %get3A_310 = arith.index_cast %add3A_309 : i32 to index
        %get3A_311 = tpu.vector_load %arg7[%get3A_310] {strides = array<i32>} : memref<25600xi32, #tpu.memory_space<vmem>>, vector<16xi32>,
        %min3A_312 = arith.constant 999999 : i32
        %min3A_313 = vector.broadcast %min3A_312 : i32 to vector<16xi32>
        %min3A_314 = arith.minsi %get3A_311, %min3A_313 : vector<16xi32>
        %swap3A_315 = arith.index_cast %add3A_309 : i32 to index
        %swap3A_316 = tpu.vector_load %arg7[%swap3A_315] {strides = array<i32>} : memref<25600xi32, #tpu.memory_space<vmem>>, vector<16xi32>,
        tpu.vector_store %arg7[%swap3A_315], %min3A_314 {strides = array<i32>} : memref<25600xi32, #tpu.memory_space<vmem>>, vector<16xi32>,
        %mul3A_317 = arith.constant 256 : i32
        %mul3A_318 = arith.muli %add3A_221, %mul3A_317 : i32
        %add3A_319 = arith.constant 112 : i32
        %add3A_320 = arith.addi %mul3A_318, %add3A_319 : i32
        %get3A_321 = arith.index_cast %add3A_320 : i32 to index
        %get3A_322 = tpu.vector_load %arg7[%get3A_321] {strides = array<i32>} : memref<25600xi32, #tpu.memory_space<vmem>>, vector<16xi32>,
        %min3A_323 = arith.constant 999999 : i32
        %min3A_324 = vector.broadcast %min3A_323 : i32 to vector<16xi32>
        %min3A_325 = arith.minsi %get3A_322, %min3A_324 : vector<16xi32>
        %swap3A_326 = arith.index_cast %add3A_320 : i32 to index
        %swap3A_327 = tpu.vector_load %arg7[%swap3A_326] {strides = array<i32>} : memref<25600xi32, #tpu.memory_space<vmem>>, vector<16xi32>,
        tpu.vector_store %arg7[%swap3A_326], %min3A_325 {strides = array<i32>} : memref<25600xi32, #tpu.memory_space<vmem>>, vector<16xi32>,
        %mul3A_328 = arith.constant 256 : i32
        %mul3A_329 = arith.muli %add3A_221, %mul3A_328 : i32
        %add3A_330 = arith.constant 128 : i32
        %add3A_331 = arith.addi %mul3A_329, %add3A_330 : i32
        %get3A_332 = arith.index_cast %add3A_331 : i32 to index
        %get3A_333 = tpu.vector_load %arg7[%get3A_332] {strides = array<i32>} : memref<25600xi32, #tpu.memory_space<vmem>>, vector<16xi32>,
        %min3A_334 = arith.constant 999999 : i32
        %min3A_335 = vector.broadcast %min3A_334 : i32 to vector<16xi32>
        %min3A_336 = arith.minsi %get3A_333, %min3A_335 : vector<16xi32>
        %swap3A_337 = arith.index_cast %add3A_331 : i32 to index
        %swap3A_338 = tpu.vector_load %arg7[%swap3A_337] {strides = array<i32>} : memref<25600xi32, #tpu.memory_space<vmem>>, vector<16xi32>,
        tpu.vector_store %arg7[%swap3A_337], %min3A_336 {strides = array<i32>} : memref<25600xi32, #tpu.memory_space<vmem>>, vector<16xi32>,
        %mul3A_339 = arith.constant 256 : i32
        %mul3A_340 = arith.muli %add3A_221, %mul3A_339 : i32
        %add3A_341 = arith.constant 144 : i32
        %add3A_342 = arith.addi %mul3A_340, %add3A_341 : i32
        %get3A_343 = arith.index_cast %add3A_342 : i32 to index
        %get3A_344 = tpu.vector_load %arg7[%get3A_343] {strides = array<i32>} : memref<25600xi32, #tpu.memory_space<vmem>>, vector<16xi32>,
        %min3A_345 = arith.constant 999999 : i32
        %min3A_346 = vector.broadcast %min3A_345 : i32 to vector<16xi32>
        %min3A_347 = arith.minsi %get3A_344, %min3A_346 : vector<16xi32>
        %swap3A_348 = arith.index_cast %add3A_342 : i32 to index
        %swap3A_349 = tpu.vector_load %arg7[%swap3A_348] {strides = array<i32>} : memref<25600xi32, #tpu.memory_space<vmem>>, vector<16xi32>,
        tpu.vector_store %arg7[%swap3A_348], %min3A_347 {strides = array<i32>} : memref<25600xi32, #tpu.memory_space<vmem>>, vector<16xi32>,
        %mul3A_350 = arith.constant 256 : i32
        %mul3A_351 = arith.muli %add3A_221, %mul3A_350 : i32
        %add3A_352 = arith.constant 160 : i32
        %add3A_353 = arith.addi %mul3A_351, %add3A_352 : i32
        %get3A_354 = arith.index_cast %add3A_353 : i32 to index
        %get3A_355 = tpu.vector_load %arg7[%get3A_354] {strides = array<i32>} : memref<25600xi32, #tpu.memory_space<vmem>>, vector<16xi32>,
        %min3A_356 = arith.constant 999999 : i32
        %min3A_357 = vector.broadcast %min3A_356 : i32 to vector<16xi32>
        %min3A_358 = arith.minsi %get3A_355, %min3A_357 : vector<16xi32>
        %swap3A_359 = arith.index_cast %add3A_353 : i32 to index
        %swap3A_360 = tpu.vector_load %arg7[%swap3A_359] {strides = array<i32>} : memref<25600xi32, #tpu.memory_space<vmem>>, vector<16xi32>,
        tpu.vector_store %arg7[%swap3A_359], %min3A_358 {strides = array<i32>} : memref<25600xi32, #tpu.memory_space<vmem>>, vector<16xi32>,
        %mul3A_361 = arith.constant 256 : i32
        %mul3A_362 = arith.muli %add3A_221, %mul3A_361 : i32
        %add3A_363 = arith.constant 176 : i32
        %add3A_364 = arith.addi %mul3A_362, %add3A_363 : i32
        %get3A_365 = arith.index_cast %add3A_364 : i32 to index
        %get3A_366 = tpu.vector_load %arg7[%get3A_365] {strides = array<i32>} : memref<25600xi32, #tpu.memory_space<vmem>>, vector<16xi32>,
        %min3A_367 = arith.constant 999999 : i32
        %min3A_368 = vector.broadcast %min3A_367 : i32 to vector<16xi32>
        %min3A_369 = arith.minsi %get3A_366, %min3A_368 : vector<16xi32>
        %swap3A_370 = arith.index_cast %add3A_364 : i32 to index
        %swap3A_371 = tpu.vector_load %arg7[%swap3A_370] {strides = array<i32>} : memref<25600xi32, #tpu.memory_space<vmem>>, vector<16xi32>,
        tpu.vector_store %arg7[%swap3A_370], %min3A_369 {strides = array<i32>} : memref<25600xi32, #tpu.memory_space<vmem>>, vector<16xi32>,
        %mul3A_372 = arith.constant 256 : i32
        %mul3A_373 = arith.muli %add3A_221, %mul3A_372 : i32
        %add3A_374 = arith.constant 192 : i32
        %add3A_375 = arith.addi %mul3A_373, %add3A_374 : i32
        %get3A_376 = arith.index_cast %add3A_375 : i32 to index
        %get3A_377 = tpu.vector_load %arg7[%get3A_376] {strides = array<i32>} : memref<25600xi32, #tpu.memory_space<vmem>>, vector<16xi32>,
        %min3A_378 = arith.constant 999999 : i32
        %min3A_379 = vector.broadcast %min3A_378 : i32 to vector<16xi32>
        %min3A_380 = arith.minsi %get3A_377, %min3A_379 : vector<16xi32>
        %swap3A_381 = arith.index_cast %add3A_375 : i32 to index
        %swap3A_382 = tpu.vector_load %arg7[%swap3A_381] {strides = array<i32>} : memref<25600xi32, #tpu.memory_space<vmem>>, vector<16xi32>,
        tpu.vector_store %arg7[%swap3A_381], %min3A_380 {strides = array<i32>} : memref<25600xi32, #tpu.memory_space<vmem>>, vector<16xi32>,
        %mul3A_383 = arith.constant 256 : i32
        %mul3A_384 = arith.muli %add3A_221, %mul3A_383 : i32
        %add3A_385 = arith.constant 208 : i32
        %add3A_386 = arith.addi %mul3A_384, %add3A_385 : i32
        %get3A_387 = arith.index_cast %add3A_386 : i32 to index
        %get3A_388 = tpu.vector_load %arg7[%get3A_387] {strides = array<i32>} : memref<25600xi32, #tpu.memory_space<vmem>>, vector<16xi32>,
        %min3A_389 = arith.constant 999999 : i32
        %min3A_390 = vector.broadcast %min3A_389 : i32 to vector<16xi32>
        %min3A_391 = arith.minsi %get3A_388, %min3A_390 : vector<16xi32>
        %swap3A_392 = arith.index_cast %add3A_386 : i32 to index
        %swap3A_393 = tpu.vector_load %arg7[%swap3A_392] {strides = array<i32>} : memref<25600xi32, #tpu.memory_space<vmem>>, vector<16xi32>,
        tpu.vector_store %arg7[%swap3A_392], %min3A_391 {strides = array<i32>} : memref<25600xi32, #tpu.memory_space<vmem>>, vector<16xi32>,
        %mul3A_394 = arith.constant 256 : i32
        %mul3A_395 = arith.muli %add3A_221, %mul3A_394 : i32
        %add3A_396 = arith.constant 224 : i32
        %add3A_397 = arith.addi %mul3A_395, %add3A_396 : i32
        %get3A_398 = arith.index_cast %add3A_397 : i32 to index
        %get3A_399 = tpu.vector_load %arg7[%get3A_398] {strides = array<i32>} : memref<25600xi32, #tpu.memory_space<vmem>>, vector<16xi32>,
        %min3A_400 = arith.constant 999999 : i32
        %min3A_401 = vector.broadcast %min3A_400 : i32 to vector<16xi32>
        %min3A_402 = arith.minsi %get3A_399, %min3A_401 : vector<16xi32>
        %swap3A_403 = arith.index_cast %add3A_397 : i32 to index
        %swap3A_404 = tpu.vector_load %arg7[%swap3A_403] {strides = array<i32>} : memref<25600xi32, #tpu.memory_space<vmem>>, vector<16xi32>,
        tpu.vector_store %arg7[%swap3A_403], %min3A_402 {strides = array<i32>} : memref<25600xi32, #tpu.memory_space<vmem>>, vector<16xi32>,
        %mul3A_405 = arith.constant 256 : i32
        %mul3A_406 = arith.muli %add3A_221, %mul3A_405 : i32
        %add3A_407 = arith.constant 240 : i32
        %add3A_408 = arith.addi %mul3A_406, %add3A_407 : i32
        %get3A_409 = arith.index_cast %add3A_408 : i32 to index
        %get3A_410 = tpu.vector_load %arg7[%get3A_409] {strides = array<i32>} : memref<25600xi32, #tpu.memory_space<vmem>>, vector<16xi32>,
        %min3A_411 = arith.constant 999999 : i32
        %min3A_412 = vector.broadcast %min3A_411 : i32 to vector<16xi32>
        %min3A_413 = arith.minsi %get3A_410, %min3A_412 : vector<16xi32>
        %swap3A_414 = arith.index_cast %add3A_408 : i32 to index
        %swap3A_415 = tpu.vector_load %arg7[%swap3A_414] {strides = array<i32>} : memref<25600xi32, #tpu.memory_space<vmem>>, vector<16xi32>,
        tpu.vector_store %arg7[%swap3A_414], %min3A_413 {strides = array<i32>} : memref<25600xi32, #tpu.memory_space<vmem>>, vector<16xi32>,
        %mul3A_416 = arith.constant 256 : i32
        %mul3A_417 = arith.muli %add3A_221, %mul3A_416 : i32
        %add3A_418 = arith.constant 0 : i32
        %add3A_419 = arith.addi %mul3A_417, %add3A_418 : i32
        %dma_start3A_420 = arith.constant 0 : i32
        %dma_start3A_421 = arith.constant 0 : i32
        %dma_start3A_422 = tpu.memref_slice %arg8[%dma_start3A_420, %dma_start3A_421] : memref<256x128xf32, #tpu.memory_space<vmem>> -> memref<128x128xf32, #tpu.memory_space<vmem>>
        %dma_start3A_423 = tpu.memref_slice %arg7[%add3A_419] : memref<25600xi32, #tpu.memory_space<vmem>> -> memref<128xi32, #tpu.memory_space<vmem>>
        %dma_start3A_424 = arith.constant 0 : i32
        %dma_start3A_425 = arith.constant 0 : i32
        %dma_start3A_426 = tpu.memref_slice %arg3[%dma_start3A_424, %dma_start3A_425] : memref<1000000x128xf32, #tpu.memory_space<hbm>> -> memref<1000000x128xf32, #tpu.memory_space<hbm>>
        tpu.enqueue_indirect_dma source(%dma_start3A_426 : memref<1000000x128xf32, #tpu.memory_space<hbm>>) target(%dma_start3A_422 : memref<128x128xf32, #tpu.memory_space<vmem>>) offsets(%dma_start3A_423 : memref<128xi32, #tpu.memory_space<vmem>>) semaphore(%arg14 : memref<!tpu.dma_semaphore, #tpu.memory_space<semaphore_mem>>)
        %mul3A_427 = arith.constant 256 : i32
        %mul3A_428 = arith.muli %add3A_221, %mul3A_427 : i32
        %add3A_429 = arith.constant 128 : i32
        %add3A_430 = arith.addi %mul3A_428, %add3A_429 : i32
        %dma_start3A_431 = arith.constant 128 : i32
        %dma_start3A_432 = arith.constant 0 : i32
        %dma_start3A_433 = tpu.memref_slice %arg8[%dma_start3A_431, %dma_start3A_432] : memref<256x128xf32, #tpu.memory_space<vmem>> -> memref<128x128xf32, #tpu.memory_space<vmem>>
        %dma_start3A_434 = tpu.memref_slice %arg7[%add3A_430] : memref<25600xi32, #tpu.memory_space<vmem>> -> memref<128xi32, #tpu.memory_space<vmem>>
        %dma_start3A_435 = arith.constant 0 : i32
        %dma_start3A_436 = arith.constant 0 : i32
        %dma_start3A_437 = tpu.memref_slice %arg3[%dma_start3A_435, %dma_start3A_436] : memref<1000000x128xf32, #tpu.memory_space<hbm>> -> memref<1000000x128xf32, #tpu.memory_space<hbm>>
        tpu.enqueue_indirect_dma source(%dma_start3A_437 : memref<1000000x128xf32, #tpu.memory_space<hbm>>) target(%dma_start3A_433 : memref<128x128xf32, #tpu.memory_space<vmem>>) offsets(%dma_start3A_434 : memref<128xi32, #tpu.memory_space<vmem>>) semaphore(%arg14 : memref<!tpu.dma_semaphore, #tpu.memory_space<semaphore_mem>>)
      } else {
      }
      %ge3A_225 = arith.constant 2 : i32
      %ge3A_226 = arith.cmpi sge, %add3A_199, %ge3A_225 : i32
      %convert_element_type3A_227 = arith.extui %ge3A_226 : i1 to i32
      %cond3A_228 = arith.constant 0 : i32
      %cond3A_229 = arith.cmpi ne, %convert_element_type3A_227, %cond3A_228 : i32
      scf.if %cond3A_229 {
        %dma_wait3A_240 = arith.constant 0 : i32
        %dma_wait3A_241 = tpu.memref_slice %arg6[%mul3A_2, %dma_wait3A_240] : memref<819200x128xf32, #tpu.memory_space<hbm>> -> memref<256x64xf32, #tpu.memory_space<hbm>>
        %dma_wait3A_242 = arith.constant 0 : i32
        %dma_wait3A_243 = tpu.memref_slice %arg6[%mul3A_2, %dma_wait3A_242] : memref<819200x128xf32, #tpu.memory_space<hbm>> -> memref<256x64xf32, #tpu.memory_space<hbm>>
        tpu.wait_dma2 semaphore(%arg17 : memref<!tpu.dma_semaphore, #tpu.memory_space<semaphore_mem>>) src(%arg11 : memref<256x64xf32, #tpu.memory_space<vmem>>) dst(%dma_wait3A_243 : memref<256x64xf32, #tpu.memory_space<hbm>>)
      } else {
      }
      %parallel_loop3A_230 = arith.constant 0 : i32
      %parallel_loop3A_231 = arith.constant 256 : i32
      %parallel_loop3A_232 = arith.constant 1 : i32
      scf.for %parallel_loop3A_240 = %parallel_loop3A_230 to %parallel_loop3A_231 step %parallel_loop3A_232  : i32 {
        %parallel_loop3A_241 = arith.index_cast %parallel_loop3A_240 : i32 to index
        %parallel_loop3A_242 = arith.constant 0 : index
        %parallel_loop3A_243 = tpu.vector_load %arg9[%parallel_loop3A_241, %parallel_loop3A_242] {strides = array<i32>} : memref<256x128xf32, #tpu.memory_space<vmem>>, vector<16xf32>,
        %parallel_loop3A_244 = arith.index_cast %parallel_loop3A_240 : i32 to index
        %parallel_loop3A_245 = arith.constant 16 : index
        %parallel_loop3A_246 = tpu.vector_load %arg9[%parallel_loop3A_244, %parallel_loop3A_245] {strides = array<i32>} : memref<256x128xf32, #tpu.memory_space<vmem>>, vector<16xf32>,
        %parallel_loop3A_247 = arith.index_cast %parallel_loop3A_240 : i32 to index
        %parallel_loop3A_248 = arith.constant 32 : index
        %parallel_loop3A_249 = tpu.vector_load %arg9[%parallel_loop3A_247, %parallel_loop3A_248] {strides = array<i32>} : memref<256x128xf32, #tpu.memory_space<vmem>>, vector<16xf32>,
        %parallel_loop3A_250 = arith.index_cast %parallel_loop3A_240 : i32 to index
        %parallel_loop3A_251 = arith.constant 48 : index
        %parallel_loop3A_252 = tpu.vector_load %arg9[%parallel_loop3A_250, %parallel_loop3A_251] {strides = array<i32>} : memref<256x128xf32, #tpu.memory_space<vmem>>, vector<16xf32>,
        %parallel_loop3A_253 = arith.addf %parallel_loop3A_243, %parallel_loop3A_246 : vector<16xf32>
        %parallel_loop3A_254 = arith.addf %parallel_loop3A_249, %parallel_loop3A_252 : vector<16xf32>
        %parallel_loop3A_255 = arith.addf %parallel_loop3A_253, %parallel_loop3A_254 : vector<16xf32>
        %parallel_loop3A_256 = arith.constant true
        %parallel_loop3A_257 = vector.broadcast %parallel_loop3A_256 : i1 to vector<16xi1>
        %parallel_loop3A_258 = tpu.scan <sum>, %parallel_loop3A_255 masked %parallel_loop3A_257 : vector<16xf32>, vector<16xi1> -> vector<16xf32>
        %parallel_loop3A_259 = arith.constant 0 : i32
        %parallel_loop3A_260 = vector.broadcast %parallel_loop3A_259 : i32 to vector<16xi32>
        %parallel_loop3A_261 = arith.cmpi slt, %broadcast_in_dim3A_18, %parallel_loop3A_260 : vector<16xi32>
        %parallel_loop3A_262 = arith.constant 16 : i32
        %parallel_loop3A_263 = vector.broadcast %parallel_loop3A_262 : i32 to vector<16xi32>
        %parallel_loop3A_264 = arith.addi %broadcast_in_dim3A_18, %parallel_loop3A_263 : vector<16xi32>
        %parallel_loop3A_265 = arith.select %parallel_loop3A_261, %parallel_loop3A_264, %broadcast_in_dim3A_18 : vector<16xi1>, vector<16xi32>
        %parallel_loop3A_266 = vector.shape_cast %parallel_loop3A_265 : vector<16xi32> to vector<16x1xi32>
        %parallel_loop3A_267 = vector.shape_cast %parallel_loop3A_266 : vector<16x1xi32> to vector<16xi32>
        %parallel_loop3A_268 = tpu.dynamic_gather %parallel_loop3A_258[%parallel_loop3A_267] in [0] : vector<16xf32>, vector<16xi32> -> vector<16xf32>
        %parallel_loop3A_269 = arith.mulf %parallel_loop3A_243, %parallel_loop3A_243 : vector<16xf32>
        %parallel_loop3A_270 = arith.mulf %parallel_loop3A_246, %parallel_loop3A_246 : vector<16xf32>
        %parallel_loop3A_271 = arith.mulf %parallel_loop3A_249, %parallel_loop3A_249 : vector<16xf32>
        %parallel_loop3A_272 = arith.mulf %parallel_loop3A_252, %parallel_loop3A_252 : vector<16xf32>
        %parallel_loop3A_273 = arith.addf %parallel_loop3A_269, %parallel_loop3A_270 : vector<16xf32>
        %parallel_loop3A_274 = arith.addf %parallel_loop3A_271, %parallel_loop3A_272 : vector<16xf32>
        %parallel_loop3A_275 = arith.addf %parallel_loop3A_273, %parallel_loop3A_274 : vector<16xf32>
        %parallel_loop3A_276 = arith.constant true
        %parallel_loop3A_277 = vector.broadcast %parallel_loop3A_276 : i1 to vector<16xi1>
        %parallel_loop3A_278 = tpu.scan <sum>, %parallel_loop3A_275 masked %parallel_loop3A_277 : vector<16xf32>, vector<16xi1> -> vector<16xf32>
        %parallel_loop3A_279 = arith.constant 0 : i32
        %parallel_loop3A_280 = vector.broadcast %parallel_loop3A_279 : i32 to vector<16xi32>
        %parallel_loop3A_281 = arith.cmpi slt, %broadcast_in_dim3A_18, %parallel_loop3A_280 : vector<16xi32>
        %parallel_loop3A_282 = arith.constant 16 : i32
        %parallel_loop3A_283 = vector.broadcast %parallel_loop3A_282 : i32 to vector<16xi32>
        %parallel_loop3A_284 = arith.addi %broadcast_in_dim3A_18, %parallel_loop3A_283 : vector<16xi32>
        %parallel_loop3A_285 = arith.select %parallel_loop3A_281, %parallel_loop3A_284, %broadcast_in_dim3A_18 : vector<16xi1>, vector<16xi32>
        %parallel_loop3A_286 = vector.shape_cast %parallel_loop3A_285 : vector<16xi32> to vector<16x1xi32>
        %parallel_loop3A_287 = vector.shape_cast %parallel_loop3A_286 : vector<16x1xi32> to vector<16xi32>
        %parallel_loop3A_288 = tpu.dynamic_gather %parallel_loop3A_278[%parallel_loop3A_287] in [0] : vector<16xf32>, vector<16xi32> -> vector<16xf32>
        %parallel_loop3A_289 = arith.constant 1.562500e-02 : f32
        %parallel_loop3A_290 = vector.broadcast %parallel_loop3A_289 : f32 to vector<16xf32>
        %parallel_loop3A_291 = arith.mulf %parallel_loop3A_268, %parallel_loop3A_290 : vector<16xf32>
        %parallel_loop3A_292 = arith.constant 1.562500e-02 : f32
        %parallel_loop3A_293 = vector.broadcast %parallel_loop3A_292 : f32 to vector<16xf32>
        %parallel_loop3A_294 = arith.mulf %parallel_loop3A_288, %parallel_loop3A_293 : vector<16xf32>
        %parallel_loop3A_295 = arith.mulf %parallel_loop3A_291, %parallel_loop3A_291 : vector<16xf32>
        %parallel_loop3A_296 = arith.subf %parallel_loop3A_294, %parallel_loop3A_295 : vector<16xf32>
        %parallel_loop3A_297 = arith.constant 0.000000e+00 : f32
        %parallel_loop3A_298 = vector.broadcast %parallel_loop3A_297 : f32 to vector<16xf32>
        %parallel_loop3A_299 = arith.maximumf %parallel_loop3A_296, %parallel_loop3A_298 : vector<16xf32>
        %parallel_loop3A_300 = arith.constant 9.99999974E-6 : f32
        %parallel_loop3A_301 = vector.broadcast %parallel_loop3A_300 : f32 to vector<16xf32>
        %parallel_loop3A_302 = arith.addf %parallel_loop3A_299, %parallel_loop3A_301 : vector<16xf32>
        %parallel_loop3A_303 = vector.bitcast %parallel_loop3A_302 : vector<16xf32> to vector<16xi32>
        %parallel_loop3A_304 = arith.constant 1 : i32
        %parallel_loop3A_305 = vector.broadcast %parallel_loop3A_304 : i32 to vector<16xi32>
        %parallel_loop3A_306 = arith.shrsi %parallel_loop3A_303, %parallel_loop3A_305 : vector<16xi32>
        %parallel_loop3A_307 = arith.constant 1597463007 : i32
        %parallel_loop3A_308 = vector.broadcast %parallel_loop3A_307 : i32 to vector<16xi32>
        %parallel_loop3A_309 = arith.subi %parallel_loop3A_308, %parallel_loop3A_306 : vector<16xi32>
        %parallel_loop3A_310 = vector.bitcast %parallel_loop3A_309 : vector<16xi32> to vector<16xf32>
        %parallel_loop3A_311 = arith.constant 5.000000e-01 : f32
        %parallel_loop3A_312 = vector.broadcast %parallel_loop3A_311 : f32 to vector<16xf32>
        %parallel_loop3A_313 = arith.mulf %parallel_loop3A_312, %parallel_loop3A_302 : vector<16xf32>
        %parallel_loop3A_314 = arith.mulf %parallel_loop3A_313, %parallel_loop3A_310 : vector<16xf32>
        %parallel_loop3A_315 = arith.mulf %parallel_loop3A_314, %parallel_loop3A_310 : vector<16xf32>
        %parallel_loop3A_316 = arith.constant 1.500000e+00 : f32
        %parallel_loop3A_317 = vector.broadcast %parallel_loop3A_316 : f32 to vector<16xf32>
        %parallel_loop3A_318 = arith.subf %parallel_loop3A_317, %parallel_loop3A_315 : vector<16xf32>
        %parallel_loop3A_319 = arith.mulf %parallel_loop3A_310, %parallel_loop3A_318 : vector<16xf32>
        %parallel_loop3A_320 = arith.constant 5.000000e-01 : f32
        %parallel_loop3A_321 = vector.broadcast %parallel_loop3A_320 : f32 to vector<16xf32>
        %parallel_loop3A_322 = arith.mulf %parallel_loop3A_321, %parallel_loop3A_302 : vector<16xf32>
        %parallel_loop3A_323 = arith.mulf %parallel_loop3A_322, %parallel_loop3A_319 : vector<16xf32>
        %parallel_loop3A_324 = arith.mulf %parallel_loop3A_323, %parallel_loop3A_319 : vector<16xf32>
        %parallel_loop3A_325 = arith.constant 1.500000e+00 : f32
        %parallel_loop3A_326 = vector.broadcast %parallel_loop3A_325 : f32 to vector<16xf32>
        %parallel_loop3A_327 = arith.subf %parallel_loop3A_326, %parallel_loop3A_324 : vector<16xf32>
        %parallel_loop3A_328 = arith.mulf %parallel_loop3A_319, %parallel_loop3A_327 : vector<16xf32>
        %parallel_loop3A_329 = arith.mulf %parallel_loop3A_291, %parallel_loop3A_328 : vector<16xf32>
        %parallel_loop3A_330 = arith.mulf %parallel_loop3A_243, %parallel_loop3A_328 : vector<16xf32>
        %parallel_loop3A_331 = arith.subf %parallel_loop3A_330, %parallel_loop3A_329 : vector<16xf32>
        %parallel_loop3A_332 = arith.mulf %parallel_loop3A_331, %get3A_3 : vector<16xf32>
        %parallel_loop3A_333 = arith.addf %parallel_loop3A_332, %get3A_11 : vector<16xf32>
        %parallel_loop3A_334 = arith.index_cast %parallel_loop3A_240 : i32 to index
        %parallel_loop3A_335 = arith.constant 0 : index
        %parallel_loop3A_336 = tpu.vector_load %arg11[%parallel_loop3A_334, %parallel_loop3A_335] {strides = array<i32>} : memref<256x64xf32, #tpu.memory_space<vmem>>, vector<16xf32>,
        tpu.vector_store %arg11[%parallel_loop3A_334, %parallel_loop3A_335], %parallel_loop3A_333 {strides = array<i32>} : memref<256x64xf32, #tpu.memory_space<vmem>>, vector<16xf32>,
        %parallel_loop3A_337 = arith.mulf %parallel_loop3A_246, %parallel_loop3A_328 : vector<16xf32>
        %parallel_loop3A_338 = arith.subf %parallel_loop3A_337, %parallel_loop3A_329 : vector<16xf32>
        %parallel_loop3A_339 = arith.mulf %parallel_loop3A_338, %get3A_5 : vector<16xf32>
        %parallel_loop3A_340 = arith.addf %parallel_loop3A_339, %get3A_13 : vector<16xf32>
        %parallel_loop3A_341 = arith.index_cast %parallel_loop3A_240 : i32 to index
        %parallel_loop3A_342 = arith.constant 16 : index
        %parallel_loop3A_343 = tpu.vector_load %arg11[%parallel_loop3A_341, %parallel_loop3A_342] {strides = array<i32>} : memref<256x64xf32, #tpu.memory_space<vmem>>, vector<16xf32>,
        tpu.vector_store %arg11[%parallel_loop3A_341, %parallel_loop3A_342], %parallel_loop3A_340 {strides = array<i32>} : memref<256x64xf32, #tpu.memory_space<vmem>>, vector<16xf32>,
        %parallel_loop3A_344 = arith.mulf %parallel_loop3A_249, %parallel_loop3A_328 : vector<16xf32>
        %parallel_loop3A_345 = arith.subf %parallel_loop3A_344, %parallel_loop3A_329 : vector<16xf32>
        %parallel_loop3A_346 = arith.mulf %parallel_loop3A_345, %get3A_7 : vector<16xf32>
        %parallel_loop3A_347 = arith.addf %parallel_loop3A_346, %get3A_15 : vector<16xf32>
        %parallel_loop3A_348 = arith.index_cast %parallel_loop3A_240 : i32 to index
        %parallel_loop3A_349 = arith.constant 32 : index
        %parallel_loop3A_350 = tpu.vector_load %arg11[%parallel_loop3A_348, %parallel_loop3A_349] {strides = array<i32>} : memref<256x64xf32, #tpu.memory_space<vmem>>, vector<16xf32>,
        tpu.vector_store %arg11[%parallel_loop3A_348, %parallel_loop3A_349], %parallel_loop3A_347 {strides = array<i32>} : memref<256x64xf32, #tpu.memory_space<vmem>>, vector<16xf32>,
        %parallel_loop3A_351 = arith.mulf %parallel_loop3A_252, %parallel_loop3A_328 : vector<16xf32>
        %parallel_loop3A_352 = arith.subf %parallel_loop3A_351, %parallel_loop3A_329 : vector<16xf32>
        %parallel_loop3A_353 = arith.mulf %parallel_loop3A_352, %get3A_9 : vector<16xf32>
        %parallel_loop3A_354 = arith.addf %parallel_loop3A_353, %get3A_17 : vector<16xf32>
        %parallel_loop3A_355 = arith.index_cast %parallel_loop3A_240 : i32 to index
        %parallel_loop3A_356 = arith.constant 48 : index
        %parallel_loop3A_357 = tpu.vector_load %arg11[%parallel_loop3A_355, %parallel_loop3A_356] {strides = array<i32>} : memref<256x64xf32, #tpu.memory_space<vmem>>, vector<16xf32>,
        tpu.vector_store %arg11[%parallel_loop3A_355, %parallel_loop3A_356], %parallel_loop3A_354 {strides = array<i32>} : memref<256x64xf32, #tpu.memory_space<vmem>>, vector<16xf32>,
      } {sc.loop_unroll_factor = 4 : i64, sc.parallel_access}
      %mul3A_233 = arith.constant 256 : i32
      %mul3A_234 = arith.muli %add3A_199, %mul3A_233 : i32
      %add3A_235 = arith.addi %mul3A_2, %mul3A_234 : i32
      %dma_start3A_236 = arith.constant 0 : i32
      %dma_start3A_237 = tpu.memref_slice %arg6[%add3A_235, %dma_start3A_236] : memref<819200x128xf32, #tpu.memory_space<hbm>> -> memref<256x64xf32, #tpu.memory_space<hbm>>
      %dma_start3A_238 = arith.constant 0 : i32
      %dma_start3A_239 = tpu.memref_slice %arg6[%add3A_235, %dma_start3A_238] : memref<819200x128xf32, #tpu.memory_space<hbm>> -> memref<256x64xf32, #tpu.memory_space<hbm>>
      tpu.enqueue_dma source(%arg11 : memref<256x64xf32, #tpu.memory_space<vmem>>) target(%dma_start3A_239 : memref<256x64xf32, #tpu.memory_space<hbm>>) target_semaphore(%arg17 : memref<!tpu.dma_semaphore, #tpu.memory_space<semaphore_mem>>)
    }
    %scan3A_148 = arith.constant 50 : i32
    %dma_wait3A = arith.constant 0 : i32
    %dma_wait3A_149 = tpu.memref_slice %arg6[%mul3A_2, %dma_wait3A] : memref<819200x128xf32, #tpu.memory_space<hbm>> -> memref<256x64xf32, #tpu.memory_space<hbm>>
    %dma_wait3A_150 = arith.constant 0 : i32
    %dma_wait3A_151 = tpu.memref_slice %arg6[%mul3A_2, %dma_wait3A_150] : memref<819200x128xf32, #tpu.memory_space<hbm>> -> memref<256x64xf32, #tpu.memory_space<hbm>>
    tpu.wait_dma2 semaphore(%arg16 : memref<!tpu.dma_semaphore, #tpu.memory_space<semaphore_mem>>) src(%arg10 : memref<256x64xf32, #tpu.memory_space<vmem>>) dst(%dma_wait3A_151 : memref<256x64xf32, #tpu.memory_space<hbm>>)
    %dma_wait3A_152 = arith.constant 0 : i32
    %dma_wait3A_153 = tpu.memref_slice %arg6[%mul3A_2, %dma_wait3A_152] : memref<819200x128xf32, #tpu.memory_space<hbm>> -> memref<256x64xf32, #tpu.memory_space<hbm>>
    %dma_wait3A_154 = arith.constant 0 : i32
    %dma_wait3A_155 = tpu.memref_slice %arg6[%mul3A_2, %dma_wait3A_154] : memref<819200x128xf32, #tpu.memory_space<hbm>> -> memref<256x64xf32, #tpu.memory_space<hbm>>
    tpu.wait_dma2 semaphore(%arg17 : memref<!tpu.dma_semaphore, #tpu.memory_space<semaphore_mem>>) src(%arg11 : memref<256x64xf32, #tpu.memory_space<vmem>>) dst(%dma_wait3A_155 : memref<256x64xf32, #tpu.memory_space<hbm>>)
    return
  }
}

module attributes {stable_mosaic.version = 14 : i64} {
  func.func @_tc_pad_body(%arg0: i32, %arg1: memref<64x16384xf32, #tpu.memory_space<vmem>>, %arg2: memref<16384x128xf32, #tpu.memory_space<vmem>>) attributes {dimension_semantics = [#tpu.dimension_semantics<arbitrary>], iteration_bounds = array<i64: 62>, scalar_prefetch = 0 : i64, scratch_operands = 0 : i64, tpu.core_type = #tpu.core_type<tc>, window_params = [{transform_indices = @transform_0, window_bounds = array<i64: 64, 16384>}, {transform_indices = @transform_1, window_bounds = array<i64: 16384, 128>}]} {
    %get3A = arith.constant 0 : index
    %get3A_0 = arith.constant 0 : index
    %get3A_1 = vector.load %arg1[%get3A, %get3A_0] : memref<64x16384xf32, #tpu.memory_space<vmem>>, vector<64x16384xf32>
    %transpose3A = tpu.transpose %get3A_1, [1, 0] : vector<64x16384xf32> -> vector<16384x64xf32>
    %swap3A = arith.constant 0 : index
    %swap3A_2 = arith.constant 0 : index
    %swap3A_3 = vector.load %arg2[%swap3A, %swap3A_2] : memref<16384x128xf32, #tpu.memory_space<vmem>>, vector<16384x64xf32>
    tpu.vector_store %arg2[%swap3A, %swap3A_2], %transpose3A {strides = array<i32>} : memref<16384x128xf32, #tpu.memory_space<vmem>>, vector<16384x64xf32>,
    %broadcast_in_dim3A = arith.constant 0.000000e+00 : f32
    %broadcast_in_dim3A_4 = vector.broadcast %broadcast_in_dim3A : f32 to vector<16384x64xf32>
    %swap3A_5 = arith.constant 0 : index
    %swap3A_6 = arith.constant 64 : index
    %swap3A_7 = vector.load %arg2[%swap3A_5, %swap3A_6] : memref<16384x128xf32, #tpu.memory_space<vmem>>, vector<16384x64xf32>
    tpu.vector_store %arg2[%swap3A_5, %swap3A_6], %broadcast_in_dim3A_4 {strides = array<i32>} : memref<16384x128xf32, #tpu.memory_space<vmem>>, vector<16384x64xf32>,
    return
  }
  func.func @transform_0(%arg0: i32) -> (i32, i32) {
    %c0_i32 = arith.constant 0 : i32
    %c0_i32_0 = arith.constant 0 : i32
    return %c0_i32, %arg0 : i32, i32
  }
  func.func @transform_1(%arg0: i32) -> (i32, i32) {
    %c0_i32 = arith.constant 0 : i32
    %c0_i32_0 = arith.constant 0 : i32
    return %arg0, %c0_i32 : i32, i32
  }
}

</mosaic_0001>

<sc_bundles>
// kernel: kernel.4.cloned.1.call-start
scs
__scs_entry_jumppad:
0x0: {  	(pc) =	sbr.rel $0x88, $3  }
0x1: {  	(tag) =	ssettag $0x0;
	lr =	simm.s32 $0x1  }
0x2: {  	[smem:$0x3F9D] =	sst lr;
	_ =	strace $0xD0000000  }
0x3: {  	_ = 	snop  }
0x4: {  	_ = 	snop  }
0x5: {  	_ = 	snop  }
0x6: {  	_ = 	snop  }
0x7: {  	_ = 	snop  }
__scs_overlays_trampoline_lowered:
0x8: {  	[smem:$0x3FAC] =	sst s0  }
0x9: {  	[smem:$0x3FAD] =	sst s1  }
0xa: {  	[smem:$0x3FAE] =	sst s2  }
0xb: {  	[smem:$0x3FAF] =	sst s3  }
0xc: {  	[smem:$0x3FB0] =	sst s4  }
0xd: {  	[smem:$0x3FB1] =	sst s5  }
0xe: {  	[smem:$0x3FB2] =	sst s6  }
0xf: {  	[smem:$0x3FB3] =	sst s7  }
0x10: {  	[smem:$0x3FB4] =	sst s8  }
0x11: {  	[smem:$0x3FB5] =	sst s9;
	s0 =	simm.s32 @!p0 $0x0  }
0x12: {  	s1 =	sld [smem:$0x3F9B];
	s0 =	simm.s32 @p0 $0x1  }
0x13: {  	[smem:$0x3FB6] =	sst s0;
	s0 =	simm.s32 @!p1 $0x0  }
0x14: {  	s2 =	sld [smem:$0x3F9A];
	s0 =	simm.s32 @p1 $0x1  }
0x15: {  	[smem:$0x3FB7] =	sst s0;
	s0 =	simm.s32 @!p2 $0x0  }
0x16: {  	s3 =	sld [smem:$0x3FDB];
	s0 =	simm.s32 @p2 $0x1  }
0x17: {  	s4 =	simm.s32 $0x1BF5;
	[smem:$0x3FB9] =	sst s0  }
0x18: {  	s0 =	sld [smem:$0x3F9C];
	_ =	swait.ge [sflag:s4], $0x0  }
0x19: {  	s7 =	sld [smem:$0x3F9D]  }
0x1a: {  	s8 =	sadd.s32 $0xFFFFE003, lr  }
0x1b: {  	s9 =	sadd.s32 $0xFFFFFEF7, lr;
	s5 =	simm.s32 $0xFFFFFFFF;
	p2 =	slt.u32 s8, $0xFFFFF086  }
0x1c: {  	p1 =	slt.u32 s9, $0xF7A;
	s5 =	simm.s32 @!p2 $0x0  }
0x1d: {  	s5 =	simm.s32 @p1 $0x1;
	p0 =	seq.s32 s7, s2  }
0x1e: {  	s7 =	smul.u32 @!p0 $0xF7A, s2;
	p2 =	seq.s32 @!p0 s5, $0x0  }
0x1f: {  	s9 =	smul.u32 $0xF7A, s1;
	s8 =	simm.s32 @!p0 $0x1BF5;
	p2 =	por !p2, p0  }
0x20: {  	[sflag:s8] =	ssyncset.s32 @!p0 $0xFFFFF086;
	s6 =	sadd.s32 @!p0 s3, s7;
	s7 =	simm.s32 @!p0 $0x108  }
0x21: {  	s3 =	sadd.s32 s3, s9;
	s6 =	sadd.s32 @!p0 $0x88, s6;
	s7 =	simm.s32 @p2 $0x1082  }
0x22: {  	[simem:s7], [sflag:s8] =	dma.local @!p0 [hbm:s6], $0xF7A  }
0x23: {  	s9 =	sor.u32 $0xD0000000, s2;
	s6 =	simm.s32 $0x108;
	_ =	swait.ge @!p0 [sflag:s8], $0x0  }
0x24: {  	s3 =	sadd.s32 $0x88, s3;
	s6 =	simm.s32 @!p1 $0x1082;
	[sflag:s4] =	ssyncset.s32 $0xFFFFF086  }
0x25: {  	[simem:s6], [sflag:s4] =	dma.local [hbm:s3], $0xF7A  }
0x26: {  	[smem:$0x3F9D] =	sst s1;
	(tag) =	ssettag s2;
	_ =	strace s9  }
0x27: {  	s1 =	sld [smem:$0x3FAD]  }
0x28: {  	s2 =	sld [smem:$0x3FAE]  }
0x29: {  	s4 =	sld [smem:$0x3FB0]  }
0x2a: {  	p0 =	seq.s32 s5, $0x0;
	s5 =	sld [smem:$0x3FB1]  }
0x2b: {  	s6 =	sld [smem:$0x3FB2]  }
0x2c: {  	s7 =	sld [smem:$0x3FB3]  }
0x2d: {  	s3 =	simm.s32 $0x108;
	s8 =	sld [smem:$0x3FB4]  }
0x2e: {  	s3 =	simm.s32 @!p0 $0x1082;
	s9 =	sld [smem:$0x3FB5]  }
0x2f: {  	lr =	sadd.s32 s0, s3;
	s0 =	sld [smem:$0x3FAC]  }
0x30: {  	s3 =	sld [smem:$0x3FAF]  }
0x31: {  	[smem:$0x3FB8] =	sst s10  }
0x32: {  	s10 =	sld [smem:$0x3FB6];
	_ =	sdelay $0x3  }
0x33: {  	p0 =	seq.s32 s10, $0x1;
	s10 =	sld [smem:$0x3FB8];
	_ =	sdelay $0x3  }
0x34: {  	[smem:$0x3FB8] =	sst s10  }
0x35: {  	s10 =	sld [smem:$0x3FB7];
	_ =	sdelay $0x3  }
0x36: {  	p1 =	seq.s32 s10, $0x1;
	s10 =	sld [smem:$0x3FB8];
	_ =	sdelay $0x3  }
0x37: {  	[smem:$0x3FB8] =	sst s10  }
0x38: {  	s10 =	sld [smem:$0x3FB9]  }
0x39: {  	_ = 	snop;
	(pc) =	sbr.ind lr, $3  }
0x3a: {  	_ = 	snop  }
0x3b: {  	_ = 	snop  }
0x3c: {  	p2 =	seq.s32 s10, $0x1;
	s10 =	sld [smem:$0x3FB8]  }
0x3d: {  	_ =	shalt  }
0x3e: {  	_ =	shalt  }
0x3f: {  	_ =	shalt  }
0x40: {  	_ =	shalt  }
0x41: {  	_ =	shalt  }
0x42: {  	_ =	shalt  }
0x43: {  	_ =	shalt  }
0x44: {  	_ =	shalt  }
0x45: {  	_ =	shalt  }
0x46: {  	_ =	shalt  }
0x47: {  	_ =	shalt  }
0x48: {  	_ =	shalt  }
0x49: {  	_ =	shalt  }
0x4a: {  	_ =	shalt  }
0x4b: {  	_ =	shalt  }
0x4c: {  	_ =	shalt  }
0x4d: {  	_ =	shalt  }
0x4e: {  	_ =	shalt  }
0x4f: {  	_ =	shalt  }
0x50: {  	_ =	shalt  }
0x51: {  	_ =	shalt  }
0x52: {  	_ =	shalt  }
0x53: {  	_ =	shalt  }
0x54: {  	_ =	shalt  }
0x55: {  	_ =	shalt  }
0x56: {  	_ =	shalt  }
0x57: {  	_ =	shalt  }
0x58: {  	_ =	shalt  }
0x59: {  	_ =	shalt  }
0x5a: {  	_ =	shalt  }
0x5b: {  	_ =	shalt  }
0x5c: {  	_ =	shalt  }
0x5d: {  	_ =	shalt  }
0x5e: {  	_ =	shalt  }
0x5f: {  	_ =	shalt  }
0x60: {  	_ =	shalt  }
0x61: {  	_ =	shalt  }
0x62: {  	_ =	shalt  }
0x63: {  	_ =	shalt  }
0x64: {  	_ =	shalt  }
0x65: {  	_ =	shalt  }
0x66: {  	_ =	shalt  }
0x67: {  	_ =	shalt  }
0x68: {  	_ =	shalt  }
0x69: {  	_ =	shalt  }
0x6a: {  	_ =	shalt  }
0x6b: {  	_ =	shalt  }
0x6c: {  	_ =	shalt  }
0x6d: {  	_ =	shalt  }
0x6e: {  	_ =	shalt  }
0x6f: {  	_ =	shalt  }
0x70: {  	_ =	shalt  }
0x71: {  	_ =	shalt  }
0x72: {  	_ =	shalt  }
0x73: {  	_ =	shalt  }
0x74: {  	_ =	shalt  }
0x75: {  	_ =	shalt  }
0x76: {  	_ =	shalt  }
0x77: {  	_ =	shalt  }
0x78: {  	_ =	shalt  }
0x79: {  	_ =	shalt  }
0x7a: {  	_ =	shalt  }
0x7b: {  	_ =	shalt  }
0x7c: {  	_ =	shalt  }
0x7d: {  	_ =	shalt  }
0x7e: {  	_ =	shalt  }
0x7f: {  	_ =	shalt  }
0x80: {  	_ =	shalt  }
0x81: {  	_ =	shalt  }
0x82: {  	_ =	shalt  }
0x83: {  	_ =	shalt  }
0x84: {  	_ =	shalt  }
0x85: {  	_ =	shalt  }
0x86: {  	_ =	shalt  }
0x87: {  	_ =	shalt  }
.Lfunc_end0:
.L_simem_size_0:
called_computation.1_lowered:
.L_overlay_start_0:
0x88: {  	s2 =	sld [smem:$0x3FD9]  }
0x89: {  	s3 =	sld [smem:$0x3FFE];
	_ =	sdelay $0x1  }
0x8a: {  	s1 =	srdreg.scid  }
0x8b: {  	s0 =	sand.u32 $0x1, s1  }
0x8c: {  	s17 =	sshll.u32 s0, $0xA;
	s2 =	sadd.s32 s3, s2  }
0x8d: {  	s2 =	sadd.s32 s2, s17  }
0x8e: {  	[smem:$0x3FC4] =	sst s2  }
0x8f: {  	_ = 	snop  }
0x90: {  	s2 =	sld [smem:$0x3FC7]  }
0x91: {  	s18 =	sld [smem:$0x3FC6]  }
0x92: {  	s4 =	sld [smem:$0x3FD0];
	(tm) =	ssettm $0x1  }
0x93: {  	s5 =	sld [smem:$0x3FFB];
	_ =	sdelay $0x3  }
0x94: {  	_ =	strace s5  }
0x95: {  	s5 =	sld [smem:$0x3FFC];
	_ =	sdelay $0x3  }
0x96: {  	_ =	strace s5  }
0x97: {  	s5 =	sld [smem:$0x3FFD];
	_ =	sdelay $0x3  }
0x98: {  	_ =	strace s5  }
0x99: {  	_ =	strace $0x8FFFFFFF  }
0x9a: {  	s19 =	sld [smem:$0x3FDB];
	_ =	sdelay $0x1  }
0x9b: {  	s6 =	simm.s32 $_scs_section_size  }
0x9c: {  	s7 =	simm.s32 $_size__tile_overlayer_lowered;
	s8 =	simm.s32 $_tile_overlayer_lowered  }
0x9d: {  	s22 =	simm.s32 $0x1BFF;
	s21 =	sshll.u32 s8, $0x1;
	s5 =	sadd.s32 s6, s19  }
0x9e: {  	s9 =	simm.s32 $0x0;
	s20 =	sshll.u32 s7, $0x1;
	s7 =	sadd.s32 s21, s5  }
0x9f: {  	[timem:s9], [sflag:s22] =	dma.local [hbm:s7], s20  }
0xa0: {  	_ =	swait.ge [sflag:s22], s20  }
0xa1: {  	s6 =	ssub.s32 $0x0, s20;
	[sflag:s22] =	ssyncset.done $0x0  }
0xa2: {  	[sflag:s22] =	ssyncadd.s32 s6;
	_ =	sdelay $0x1  }
0xa3: {  	s23 =	simm.s32 $0x1B8B  }
0xa4: {  	_ =	swait.ge [sflag:s23], $0x1  }
0xa5: {  	[sflag:s23] =	ssyncset.done $0x0  }
0xa6: {  	s25 =	simm.s32 $0x1B8E;
	s24 =	sld [smem:$0x3FFE];
	[sflag:s23] =	ssyncadd.s32 $0xFFFFFFFF  }
0xa7: {  	s26 =	simm.s32 $execute0_lowered;
	[smem:$0x3FD2] =	sst s25  }
0xa8: {  	s7 =	sshll.u32 s26, $0x1;
	_ =	strace $0x80000046;
	[dreg:$0x1] =	wrdreg $0xFFFFFFFF  }
0xa9: {  	s28 =	simm.s32 $_size_execute0_lowered;
	s5 =	sadd.s32 s5, s7;
	[dreg:$0x0] =	wrdreg $0x0  }
0xaa: {  	s7 =	sshll.u32 s28, $0x1;
	[dreg:$0x2] =	wrdreg s5  }
0xab: {  	[dreg:$0x3] =	wrdreg s7  }
0xac: {  	[dreg:$0x4] =	wrdreg $0xC0  }
0xad: {  	_ =	task [dreg:s9], $0x5FFFF  }
0xae: {  	[dreg:$0x1] =	wrdreg $0xFFFFFFFF  }
0xaf: {  	[dreg:$0x0] =	wrdreg $0x60  }
0xb0: {  	[dreg:$0x2] =	wrdreg s4  }
0xb1: {  	[dreg:$0x3] =	wrdreg s24  }
0xb2: {  	[dreg:$0x4] =	wrdreg s2  }
0xb3: {  	[dreg:$0x5] =	wrdreg s18  }
0xb4: {  	[dreg:$0x6] =	wrdreg $0x9  }
0xb5: {  	_ =	task.clear_ibuf [dreg:s9], $0x7FFFF;
	_ =	strace $0x90000046  }
0xb6: {  	s29 =	simm.s32 $0x9;
	_ =	strace $0x80000048  }
0xb7: {  	_ =	swait.ge [sflag:s29], $0x1  }
0xb8: {  	[sflag:s29] =	ssyncadd.s32 $0xFFFFFFFF  }
0xb9: {  	_ =	strace $0x90000048  }
0xba: {  	_ =	sfence  }
0xbb: {  	s30 =	sld [smem:$0x0];
	_ =	sdelay $0x2  }
0xbc: {  	s31 =	sshll.u32 s1, $0xD;
	s1 =	sshrl.u32 s1, $0x2  }
0xbd: {  	s3 =	sand.u32 $0x4000, s31;
	s1 =	sadd.s32 s1, s30  }
0xbe: {  	s0 =	sor.u32 s3, s0;
	s1 =	sshll.u32 s1, $0x11  }
0xbf: {  	s0 =	sor.u32 s1, s0  }
0xc0: {  	s0 =	sadd.s32 $0x8F2B, s0  }
0xc1: {  	[sflag:s0] =	ssyncadd.remote.s32 $0x1  }
0xc2: {  	_ =	sfence.sel $0xFFFF  }
0xc3: {  	[dreg:$0x0] =	wrdreg $0xFFFFFFFF;
	(pc) =	sbr.abs _section_cstart, $3  }
0xc4: {  	[dreg:$0x1] =	wrdreg $0xFFFFFFFF  }
0xc5: {  	_ =	task.clear_ibuf [dreg:s9], $0x2FFFF;
	_ =	strace $0x9FFFFFFF  }
0xc6: {  	(tm) =	ssettm $0x7FFFFFFF  }
0xc7: {  	_ =	shalt  }
tec
execute0_lowered:
.L_overlay_start_1:
0x0: {  	(tag) =	ssettag $0x1  }
0x1: {  	s1 =	rddreg [dreg:$0x0]  }
0x2: {  	s6 =	rddreg [dreg:$0x1]  }
0x3: {  	s2 =	rddreg [dreg:$0x2];
	s4 =	srdreg.scid  }
0x4: {  	s0 =	stileid.u32;
	s3 =	rddreg [dreg:$0x3];
	s11 =	simm.s32 $0x1E400  }
0x5: {  	s12 =	simm.s32 $0x1E440;
	s13 =	simm.s32 $0x80;
	s14 =	simm.s32 $0x6400  }
0x6: {  	s15 =	simm.s32 $0xA400;
	s16 =	simm.s32 $0x1;
	s17 =	simm.s32 $0xE400  }
0x7: {  	s18 =	simm.s32 $0x12400;
	s19 =	simm.s32 $0x40;
	s20 =	simm.s32 $0x16400  }
0x8: {  	s21 =	simm.s32 $0x2;
	s22 =	simm.s32 $0x1A400;
	s23 =	simm.s32 $0x3  }
0x9: {  	s24 =	simm.s32 $0x4;
	s5 =	sand.u32 $0x1, s4;
	s7 =	sshll.u32 s0, $0x1  }
0xa: {  	s25 =	simm.s32 $0x0;
	s4 =	simm.s32 $0x0;
	s8 =	sor.u32 s5, s7  }
0xb: {  	[smem:$0x7FF] =	sst s4;
	s31 =	ssub.s32 $0x2, s5;
	s5 =	sadd.s32 $0x800, s6  }
0xc: {  	s6 =	sadd.s32 $0xF42C00, s6;
	s9 =	smul.u32 $0xC80, s8;
	s10 =	sshrl.u32 s31, $0x1  }
0xd: {  	_ =	strace $0x80000047;
	s8 =	smul.u32 $0x320000, s8;
	s10 =	ssub.s32 s31, s10  }
0xe: {  	v0 =	vimm.s32 $0xF;
	s7 =	sadd.s32 s1, s9;
	s9 =	smax.u32 s10, $0x1;
	s10 =	simm.s32 $0x5  }
.LBB2_1:
0xf: {  	[tilespmem:s4], [sflag:$0x5] =	stream.linear.gather [hbm4b:s7+s4], $0x6400, $0x38;
	[tilespmem:$0x1E480] =	vst v63  }
0x10: {  	_ =	swait.ge [sflag:s10], $0x6400  }
0x11: {  	[sflag:s10] =	ssyncset.done $0x0  }
0x12: {  	[sflag:s10] =	ssyncadd.s32 $0xFFFF9C00  }
0x13: {  	[tilespmem:s11], [sflag:$0x5] =	stream.linear.gather [hbm4b:s2+s4], $0x40, $0x38;
	[tilespmem:$0x1E480] =	vst v63  }
0x14: {  	_ =	swait.ge [sflag:s10], $0x40  }
0x15: {  	[sflag:s10] =	ssyncset.done $0x0  }
0x16: {  	[sflag:s10] =	ssyncadd.s32 $0xFFFFFFC0  }
0x17: {  	[tilespmem:s12], [sflag:$0x5] =	stream.linear.gather [hbm4b:s3+s4], $0x40, $0x38;
	[tilespmem:$0x1E480] =	vst v63  }
0x18: {  	_ =	swait.ge [sflag:s10], $0x40  }
0x19: {  	[sflag:s10] =	ssyncset.done $0x0  }
0x1a: {  	[sflag:s10] =	ssyncadd.s32 $0xFFFFFFC0  }
0x1b: {  	v2 =	vld [tilespmem:$0x0]  }
0x1c: {  	v3 =	vld [tilespmem:$0x10]  }
0x1d: {  	v4 =	vld [tilespmem:$0x20]  }
0x1e: {  	v5 =	vld [tilespmem:$0x30]  }
0x1f: {  	v6 =	vld [tilespmem:$0x40]  }
0x20: {  	v7 =	vld [tilespmem:$0x50];
	vm0 =	vlt.s32 v2, $0xF423F  }
0x21: {  	v8 =	vld [tilespmem:$0x60];
	vm13 =	vlt.s32 v3, $0xF423F;
	v2 =	vnsel vm0, $0xF423F, v2  }
0x22: {  	vm14 =	vlt.s32 v4, $0xF423F;
	[tilespmem:$0x0] =	vst v2;
	v2 =	vnsel vm13, $0xF423F, v3;
	v3 =	vld [tilespmem:$0x70]  }
0x23: {  	vm15 =	vlt.s32 v5, $0xF423F;
	[tilespmem:$0x10] =	vst v2;
	v2 =	vnsel vm14, $0xF423F, v4;
	v4 =	vld [tilespmem:$0x80]  }
0x24: {  	vm4 =	vlt.s32 v6, $0xF423F;
	[tilespmem:$0x20] =	vst v2;
	v2 =	vnsel vm15, $0xF423F, v5;
	v5 =	vld [tilespmem:$0x90]  }
0x25: {  	vm5 =	vlt.s32 v7, $0xF423F;
	[tilespmem:$0x30] =	vst v2;
	v2 =	vnsel vm4, $0xF423F, v6;
	v6 =	vld [tilespmem:$0xA0]  }
0x26: {  	vm6 =	vlt.s32 v8, $0xF423F;
	[tilespmem:$0x40] =	vst v2;
	v2 =	vnsel vm5, $0xF423F, v7;
	v7 =	vld [tilespmem:$0xB0]  }
0x27: {  	v9 =	vld [tilespmem:$0xD0];
	[tilespmem:$0x50] =	vst v2;
	v2 =	vnsel vm6, $0xF423F, v8;
	vm7 =	vlt.s32 v3, $0xF423F  }
0x28: {  	v11 =	vld [tilespmem:$0xF0];
	[tilespmem:$0x60] =	vst v2;
	v2 =	vnsel vm7, $0xF423F, v3;
	vm8 =	vlt.s32 v4, $0xF423F  }
0x29: {  	v8 =	vld [tilespmem:$0xC0];
	[tilespmem:$0x70] =	vst v2;
	v2 =	vnsel vm8, $0xF423F, v4;
	vm9 =	vlt.s32 v5, $0xF423F  }
0x2a: {  	v10 =	vld [tilespmem:$0xE0];
	[tilespmem:$0x80] =	vst v2;
	v3 =	vnsel vm9, $0xF423F, v5;
	vm10 =	vlt.s32 v6, $0xF423F  }
0x2b: {  	v1 =	vld [tilespmem:$0x1E400];
	[tilespmem:$0x90] =	vst v3;
	v4 =	vnsel vm10, $0xF423F, v6;
	vm11 =	vlt.s32 v7, $0xF423F  }
0x2c: {  	vm13 =	vlt.s32 v9, $0xF423F;
	v2 =	vld [tilespmem:$0x1E410];
	[tilespmem:$0xA0] =	vst v4;
	v5 =	vnsel vm11, $0xF423F, v7  }
0x2d: {  	vm15 =	vlt.s32 v11, $0xF423F;
	v3 =	vld [tilespmem:$0x1E420];
	v7 =	vnsel vm13, $0xF423F, v9;
	[tilespmem:$0xB0] =	vst v5  }
0x2e: {  	vm12 =	vlt.s32 v8, $0xF423F;
	v4 =	vld [tilespmem:$0x1E430];
	v9 =	vnsel vm15, $0xF423F, v11;
	[tilespmem:$0xD0] =	vst v7  }
0x2f: {  	vm14 =	vlt.s32 v10, $0xF423F;
	v6 =	vnsel vm12, $0xF423F, v8;
	v5 =	vld [tilespmem:$0x1E440];
	[tilespmem:$0xF0] =	vst v9  }
0x30: {  	v8 =	vnsel vm14, $0xF423F, v10;
	v7 =	vld [tilespmem:$0x1E460];
	[tilespmem:$0xC0] =	vst v6  }
0x31: {  	v6 =	vld [tilespmem:$0x1E450];
	[tilespmem:$0xE0] =	vst v8  }
0x32: {  	v8 =	vld [tilespmem:$0x1E470];
	[tilespmem:s14], [sflag:$0x1] =	stream.indirect.gather [hbm4b:s5+s13], $0x80, s4, s13, $0xb8  }
0x33: {  	s26 =	simm.s32 $0x0  }
0x34: {  	[tilespmem:s15], [sflag:$0x1] =	stream.indirect.gather [hbm4b:s5+s13], $0x80, s13, s13, $0xb8;
	[tilespmem:$0x1E480] =	vst v63  }
.LBB2_2:
0x35: {  	_ =	swait.ge [sflag:s16], $0x4000  }
0x36: {  	[sflag:s16] =	ssyncset.done $0x0  }
0x37: {  	[sflag:s16] =	ssyncadd.s32 $0xFFFFC000  }
0x38: {  	s28 =	sshllo.u32 s26, $0x1;
	_ =	swait.ge [sflag:s16], $0x4000  }
0x39: {  	s1 =	sshll.u32 s28, $0x8;
	[sflag:s16] =	ssyncset.done $0x0  }
0x3a: {  	s1 =	sand.u32 $0x3FFFFF00, s1;
	[sflag:s16] =	ssyncadd.s32 $0xFFFFC000  }
0x3b: {  	v9 =	vld [tilespmem:s1+$0x0]  }
0x3c: {  	v10 =	vld [tilespmem:s1+$0x10]  }
0x3d: {  	v11 =	vld [tilespmem:s1+$0x20]  }
0x3e: {  	v12 =	vld [tilespmem:s1+$0x30]  }
0x3f: {  	v13 =	vld [tilespmem:s1+$0x40]  }
0x40: {  	v14 =	vld [tilespmem:s1+$0x50];
	vm0 =	vlt.s32 v9, $0xF423F  }
0x41: {  	v15 =	vld [tilespmem:s1+$0x60];
	vm13 =	vlt.s32 v10, $0xF423F;
	v9 =	vnsel vm0, $0xF423F, v9  }
0x42: {  	vm14 =	vlt.s32 v11, $0xF423F;
	[tilespmem:s1+$0x0] =	vst v9;
	v9 =	vnsel vm13, $0xF423F, v10;
	v10 =	vld [tilespmem:s1+$0x70]  }
0x43: {  	vm15 =	vlt.s32 v12, $0xF423F;
	[tilespmem:s1+$0x10] =	vst v9;
	v9 =	vnsel vm14, $0xF423F, v11;
	v11 =	vld [tilespmem:s1+$0x80]  }
0x44: {  	vm4 =	vlt.s32 v13, $0xF423F;
	[tilespmem:s1+$0x20] =	vst v9;
	v9 =	vnsel vm15, $0xF423F, v12;
	v12 =	vld [tilespmem:s1+$0x90]  }
0x45: {  	vm5 =	vlt.s32 v14, $0xF423F;
	[tilespmem:s1+$0x30] =	vst v9;
	v9 =	vnsel vm4, $0xF423F, v13;
	v13 =	vld [tilespmem:s1+$0xA0]  }
0x46: {  	vm6 =	vlt.s32 v15, $0xF423F;
	[tilespmem:s1+$0x40] =	vst v9;
	v9 =	vnsel vm5, $0xF423F, v14;
	v14 =	vld [tilespmem:s1+$0xB0]  }
0x47: {  	[tilespmem:s1+$0x50] =	vst v9;
	v9 =	vnsel vm6, $0xF423F, v15;
	vm7 =	vlt.s32 v10, $0xF423F;
	v15 =	vld [tilespmem:s1+$0xC0]  }
0x48: {  	[tilespmem:s1+$0x60] =	vst v9;
	v9 =	vnsel vm7, $0xF423F, v10;
	vm8 =	vlt.s32 v11, $0xF423F;
	v10 =	vld [tilespmem:s1+$0xD0]  }
0x49: {  	[tilespmem:s1+$0x70] =	vst v9;
	v9 =	vnsel vm8, $0xF423F, v11;
	vm9 =	vlt.s32 v12, $0xF423F;
	v11 =	vld [tilespmem:s1+$0xE0]  }
0x4a: {  	[tilespmem:s1+$0x80] =	vst v9;
	v9 =	vnsel vm9, $0xF423F, v12;
	vm10 =	vlt.s32 v13, $0xF423F;
	v12 =	vld [tilespmem:s1+$0xF0]  }
0x4b: {  	[tilespmem:s1+$0x90] =	vst v9;
	v9 =	vnsel vm10, $0xF423F, v13;
	vm11 =	vlt.s32 v14, $0xF423F  }
0x4c: {  	[tilespmem:s1+$0xA0] =	vst v9;
	v9 =	vnsel vm11, $0xF423F, v14;
	vm12 =	vlt.s32 v15, $0xF423F  }
0x4d: {  	[tilespmem:s1+$0xB0] =	vst v9;
	v9 =	vnsel vm12, $0xF423F, v15;
	vm13 =	vlt.s32 v10, $0xF423F  }
0x4e: {  	[tilespmem:s1+$0xC0] =	vst v9;
	v9 =	vnsel vm13, $0xF423F, v10;
	vm14 =	vlt.s32 v11, $0xF423F  }
0x4f: {  	[tilespmem:s1+$0xD0] =	vst v9;
	v9 =	vnsel vm14, $0xF423F, v11;
	vm15 =	vlt.s32 v12, $0xF423F  }
0x50: {  	[tilespmem:s1+$0xE0] =	vst v9;
	v9 =	vnsel vm15, $0xF423F, v12  }
0x51: {  	[tilespmem:s1+$0xF0] =	vst v9  }
0x52: {  	[tilespmem:s17], [sflag:$0x2] =	stream.indirect.gather [hbm4b:s5+s13], $0x80, s1, s13, $0xb8;
	[tilespmem:$0x1E480] =	vst v63  }
0x53: {  	p0 =	seq.s32 s26, $0x0;
	s1 =	sor.u32 $0x80, s1  }
0x54: {  	[tilespmem:s18], [sflag:$0x2] =	stream.indirect.gather [hbm4b:s5+s13], $0x80, s1, s13, $0xb8;
	[tilespmem:$0x1E480] =	vst v63  }
0x55: {  	s1 =	simm.s32 @!p0 $0x3  }
0x56: {  	_ =	swait.ge @!p0 [sflag:s1], $0x4000  }
0x57: {  	[sflag:s1] =	ssyncset.done @!p0 $0x0  }
0x58: {  	[sflag:s1] =	ssyncadd.s32 @!p0 $0xFFFFC000;
	s1 =	simm.s32 $0x6500  }
0x59: {  	v11 =	vld [tilespmem:s1+$0x80]  }
0x5a: {  	v10 =	vld [tilespmem:s1+$0x90]  }
0x5b: {  	v9 =	vld [tilespmem:s1+$0xA0]  }
0x5c: {  	v12 =	vld [tilespmem:s1+$0xB0];
	_ =	sdelay $0x3  }
0x5d: {  	v34 =	vld [tilespmem:s1+$0xFFFFFF20];
	v13 =	vadd.f32 v10, v11  }
0x5e: {  	v30 =	vld [tilespmem:s1+$0xFFFFFF80];
	v14 =	vadd.f32 v12, v9;
	v15 =	vmul.f32 v11, v11;
	v16 =	vmul.f32 v10, v10  }
0x5f: {  	v29 =	vld [tilespmem:s1+$0xFFFFFF90];
	v17 =	vmul.f32 v9, v9;
	v18 =	vmul.f32 v12, v12  }
0x60: {  	v31 =	vld [tilespmem:s1+$0xFFFFFFA0];
	v13 =	vadd.f32 v14, v13  }
0x61: {  	v26 =	vld [tilespmem:s1+$0xFFFFFFB0];
	v14 =	vadd.f32 v16, v15;
	v15 =	vadd.f32 v18, v17  }
0x62: {  	v23 =	vld [tilespmem:s1+$0x0]  }
0x63: {  	v24 =	vld [tilespmem:s1+$0x10];
	(xrf2) =	vadd.scan.msk.f32 $0xffff, v13;
	v13 =	vadd.f32 v15, v14  }
0x64: {  	v21 =	vld [tilespmem:s1+$0x20]  }
0x65: {  	v35 =	vld [tilespmem:s1+$0xFFFFFF00];
	(xrf2) =	vadd.scan.msk.f32 $0xffff, v13  }
0x66: {  	v22 =	vld [tilespmem:s1+$0x30]  }
0x67: {  	v33 =	vld [tilespmem:s1+$0xFFFFFF30]  }
0x68: {  	v32 =	vld [tilespmem:s1+$0xFFFFFF10]  }
0x69: {  	v19 =	vmul.f32 v29, v29  }
0x6a: {  	v20 =	vadd.f32 v26, v31;
	v25 =	vmul.f32 v26, v26;
	v28 =	vadd.f32 v24, v23  }
0x6b: {  	v36 =	vadd.f32 v22, v21;
	v37 =	vmul.f32 v35, v35;
	v18 =	vadd.f32 v29, v30  }
0x6c: {  	v16 =	vadd.f32 v33, v34;
	v17 =	vmul.f32 v30, v30;
	v14 =	vmul.f32 v34, v34  }
0x6d: {  	v15 =	vmul.f32 v33, v33;
	v18 =	vadd.f32 v20, v18;
	v20 =	vadd.f32 v32, v35;
	v27, _, _ =	vpop (xrf2)  }
0x6e: {  	v17 =	vadd.f32 v19, v17;
	v19 =	vmul.f32 v23, v23;
	v27 =	vperm.xlane v27, v0  }
0x6f: {  	v13 =	vmul.f32 v32, v32;
	v14 =	vadd.f32 v15, v14;
	v15 =	vmul.f32 v31, v31;
	v38, _, _ =	vpop (xrf2)  }
0x70: {  	v16 =	vadd.f32 v16, v20;
	v20 =	vperm.xlane v38, v0;
	v27 =	vmul.f32 $1.562500000e-02, v27  }
0x71: {  	v13 =	vadd.f32 v13, v37;
	v15 =	vadd.f32 v25, v15;
	v25 =	vmul.f32 v22, v22;
	(xrf2) =	vadd.scan.msk.f32 $0xffff, v18  }
0x72: {  	v18 =	vadd.f32 v36, v28;
	(xrf2) =	vadd.scan.msk.f32 $0xffff, v16;
	v16 =	vmul.f32 $1.562500000e-02, v20;
	v20 =	vmul.f32 v27, v27  }
0x73: {  	v13 =	vadd.f32 v14, v13;
	v14 =	vmul.f32 v21, v21;
	v28 =	vmul.f32 v24, v24  }
0x74: {  	(xrf2) =	vadd.scan.msk.f32 $0xffff, v18;
	v16 =	vsub.f32 v16, v20  }
0x75: {  	v14 =	vadd.f32 v25, v14;
	(xrf2) =	vadd.scan.msk.f32 $0xffff, v13;
	v13 =	vadd.f32 v28, v19  }
0x76: {  	v15 =	vadd.f32 v15, v17;
	v16 =	vmax.f32 v16, $0.0e+00  }
0x77: {  	v13 =	vadd.f32 v14, v13;
	v16 =	vadd.f32 $9.999999740e-06, v16;
	_ =	sdelay $0x1  }
0x78: {  	(xrf2) =	vadd.scan.msk.f32 $0xffff, v15;
	v14 =	vshra.s32 v16, $0x1;
	v15 =	vmul.f32 $5.000000000e-01, v16  }
0x79: {  	(xrf2) =	vadd.scan.msk.f32 $0xffff, v13;
	v14 =	vsub.s32 $0x5F3759DF, v14  }
0x7a: {  	v13, _, _ =	vpop (xrf2);
	v16 =	vmul.f32 v14, v15  }
0x7b: {  	v13 =	vperm.xlane v13, v0  }
0x7c: {  	v17, _, _ =	vpop (xrf2);
	v16 =	vmul.f32 v14, v16  }
0x7d: {  	v17 =	vperm.xlane v17, v0  }
0x7e: {  	v18, _, _ =	vpop (xrf2);
	v41 =	vmul.f32 $1.562500000e-02, v13;
	v16 =	vsub.f32 $1.500000000e+00, v16  }
0x7f: {  	v42 =	vmul.f32 $1.562500000e-02, v17;
	v13, _, _ =	vpop (xrf2);
	v17 =	vperm.xlane v18, v0  }
0x80: {  	v13 =	vperm.xlane v13, v0;
	v14 =	vmul.f32 v14, v16  }
0x81: {  	v19 =	vmul.f32 v41, v41;
	v18 =	vmul.f32 v42, v42  }
0x82: {  	v13 =	vmul.f32 $1.562500000e-02, v13;
	v16, _, _ =	vpop (xrf2);
	v15 =	vmul.f32 v14, v15  }
0x83: {  	v40 =	vmul.f32 $1.562500000e-02, v17;
	v16 =	vperm.xlane v16, v0;
	v17, _, _ =	vpop (xrf2)  }
0x84: {  	v13 =	vsub.f32 v13, v18;
	v17 =	vperm.xlane v17, v0;
	v15 =	vmul.f32 v15, v14  }
0x85: {  	v18 =	vmul.f32 v40, v40;
	v16 =	vmul.f32 $1.562500000e-02, v16  }
0x86: {  	v13 =	vmax.f32 v13, $0.0e+00;
	v17 =	vmul.f32 $1.562500000e-02, v17;
	v15 =	vsub.f32 $1.500000000e+00, v15  }
0x87: {  	v13 =	vadd.f32 $9.999999740e-06, v13;
	v16 =	vsub.f32 v16, v19  }
0x88: {  	v17 =	vsub.f32 v17, v18;
	v14 =	vmul.f32 v15, v14  }
0x89: {  	v15 =	vshra.s32 v13, $0x1;
	v13 =	vmul.f32 $5.000000000e-01, v13;
	v16 =	vmax.f32 v16, $0.0e+00  }
0x8a: {  	v15 =	vsub.s32 $0x5F3759DF, v15;
	v16 =	vadd.f32 $9.999999740e-06, v16;
	v18 =	vmul.f32 v14, v27  }
0x8b: {  	v17 =	vmax.f32 v17, $0.0e+00;
	v12 =	vmul.f32 v14, v12;
	v20 =	vmul.f32 v15, v13  }
0x8c: {  	v11 =	vmul.f32 v14, v11;
	v10 =	vmul.f32 v14, v10;
	v17 =	vadd.f32 $9.999999740e-06, v17  }
0x8d: {  	s1 =	simm.s32 $0x6700;
	v19 =	vshra.s32 v16, $0x1;
	v16 =	vmul.f32 $5.000000000e-01, v16;
	v20 =	vmul.f32 v15, v20  }
0x8e: {  	v36 =	vld [tilespmem:s1+$0xB0];
	v19 =	vsub.s32 $0x5F3759DF, v19;
	v27 =	vshra.s32 v17, $0x1;
	v17 =	vmul.f32 $5.000000000e-01, v17  }
0x8f: {  	v14 =	vmul.f32 v14, v9;
	v25 =	vmul.f32 v19, v16;
	v62 =	vsub.s32 $0x5F3759DF, v27  }
0x90: {  	v12 =	vsub.f32 v12, v18;
	v20 =	vsub.f32 $1.500000000e+00, v20;
	v27 =	vmul.f32 v62, v17  }
0x91: {  	v11 =	vsub.f32 v11, v18;
	v10 =	vsub.f32 v10, v18;
	v25 =	vmul.f32 v19, v25  }
0x92: {  	v45 =	vsub.f32 v14, v18;
	v18 =	vld [tilespmem:s1+$0xFFFFFFB0];
	v20 =	vmul.f32 v15, v20;
	v28 =	vmul.f32 v62, v27  }
0x93: {  	v49 =	vmul.f32 v36, v36;
	v12 =	vmul.f32 v12, v4;
	v27 =	vld [tilespmem:s1+$0x80];
	v25 =	vsub.f32 $1.500000000e+00, v25  }
0x94: {  	v45 =	vmul.f32 v45, v3;
	v9 =	vmul.f32 v20, v13;
	v15 =	vsub.f32 $1.500000000e+00, v28;
	v28 =	vld [tilespmem:s1+$0x90]  }
0x95: {  	v13 =	vmul.f32 v11, v1;
	v43 =	vmul.f32 v19, v25;
	v25 =	vld [tilespmem:s1+$0xA0]  }
0x96: {  	v37 =	vadd.f32 v12, v8;
	v44 =	vmul.f32 v62, v15;
	v15 =	vmul.f32 v9, v20  }
0x97: {  	v45 =	vadd.f32 v45, v7;
	v11 =	vld [tilespmem:s1+$0xFFFFFF30];
	v62 =	vmul.f32 v18, v18;
	v12 =	vmul.f32 v43, v16  }
0x98: {  	v38 =	vadd.f32 v13, v5;
	v13 =	vld [tilespmem:s1+$0xFFFFFFA0];
	v16 =	vmul.f32 v10, v2;
	v19 =	vmul.f32 v27, v27  }
0x99: {  	v9 =	vld [tilespmem:s1+$0xFFFFFF20];
	v14 =	vmul.f32 v44, v17;
	v46 =	vsub.f32 $1.500000000e+00, v15;
	v12 =	vmul.f32 v12, v43  }
0x9a: {  	v10 =	vld [tilespmem:s1+$0xFFFFFF80];
	v15 =	vadd.f32 v28, v27;
	v48 =	vmul.f32 v28, v28;
	v17 =	vadd.f32 v36, v25  }
0x9b: {  	v39 =	vadd.f32 v16, v6;
	v14 =	vmul.f32 v14, v44;
	v16 =	vmul.f32 v25, v25  }
0x9c: {  	v46 =	vmul.f32 v46, v20;
	v20 =	vld [tilespmem:s1+$0xFFFFFF00];
	v47 =	vsub.f32 $1.500000000e+00, v12;
	v51 =	vadd.f32 v17, v15  }
0x9d: {  	v63 =	vmul.f32 v11, v11;
	v12 =	vld [tilespmem:s1+$0xFFFFFF90];
	v17 =	vadd.f32 v48, v19;
	v19 =	vadd.f32 v49, v16  }
0x9e: {  	v61 =	vmul.f32 v13, v13;
	v52 =	vmul.f32 v9, v9;
	v50 =	vsub.f32 $1.500000000e+00, v14;
	v14 =	vld [tilespmem:s1+$0x0]  }
0x9f: {  	v15 =	vld [tilespmem:s1+$0x10];
	v53 =	vmul.f32 v10, v10;
	v42 =	vmul.f32 v46, v42;
	v56 =	vadd.f32 v19, v17;
	(xrf2) =	vadd.scan.msk.f32 $0xffff, v51  }
0xa0: {  	v60 =	vadd.f32 v18, v13;
	v16 =	vld [tilespmem:s1+$0x20];
	v35 =	vmul.f32 v46, v35;
	v32 =	vmul.f32 v46, v32  }
0xa1: {  	v49 =	vadd.f32 v11, v9;
	v34 =	vmul.f32 v46, v34;
	v33 =	vmul.f32 v46, v33;
	v17 =	vld [tilespmem:s1+$0x30];
	(xrf2) =	vadd.scan.msk.f32 $0xffff, v56  }
0xa2: {  	v48 =	vadd.f32 v63, v52;
	v19 =	vld [tilespmem:s1+$0xFFFFFF10];
	v54 =	vadd.f32 v12, v10;
	v55 =	vmul.f32 v12, v12  }
0xa3: {  	v43 =	vmul.f32 v47, v43;
	v35 =	vsub.f32 v35, v42;
	v63 =	vmul.f32 v14, v14  }
0xa4: {  	v59 =	vmul.f32 v15, v15;
	v53 =	vadd.f32 v55, v53;
	v51 =	vadd.f32 v60, v54  }
0xa5: {  	v44 =	vmul.f32 v50, v44;
	v60 =	vadd.f32 v62, v61;
	v61 =	vadd.f32 v15, v14  }
0xa6: {  	v41 =	vmul.f32 v43, v41;
	v62 =	vadd.f32 v17, v16;
	v54 =	vadd.f32 v59, v63  }
0xa7: {  	v63 =	vmul.f32 v16, v16;
	v56 =	vmul.f32 v17, v17;
	v57 =	vadd.f32 v19, v20  }
0xa8: {  	v59 =	vmul.f32 v19, v19;
	v47 =	vadd.f32 v60, v53;
	v60 =	vmul.f32 v20, v20  }
0xa9: {  	v30 =	vmul.f32 v43, v30;
	(xrf2) =	vadd.scan.msk.f32 $0xffff, v51;
	v50 =	vadd.f32 v62, v61;
	v58 =	vadd.f32 v56, v63;
	v61, _, _ =	vpop (xrf2)  }
0xaa: {  	v49 =	vadd.f32 v49, v57;
	v51 =	vadd.f32 v59, v60;
	v63 =	vperm.xlane v61, v0  }
0xab: {  	v29 =	vmul.f32 v43, v29;
	v31 =	vmul.f32 v43, v31;
	v62 =	vadd.f32 v58, v54;
	v54, _, _ =	vpop (xrf2)  }
0xac: {  	(xrf2) =	vadd.scan.msk.f32 $0xffff, v49;
	v48 =	vadd.f32 v48, v51;
	v49 =	vperm.xlane v54, v0;
	v51 =	vmul.f32 $1.562500000e-02, v63  }
0xad: {  	v32 =	vsub.f32 v32, v42;
	v26 =	vmul.f32 v43, v26;
	v40 =	vmul.f32 v44, v40  }
0xae: {  	v34 =	vsub.f32 v34, v42;
	(xrf2) =	vadd.scan.msk.f32 $0xffff, v50;
	v55 =	vmul.f32 $1.562500000e-02, v49;
	v56 =	vmul.f32 v51, v51  }
0xaf: {  	v33 =	vsub.f32 v33, v42;
	v23 =	vmul.f32 v44, v23;
	v24 =	vmul.f32 v44, v24  }
0xb0: {  	v22 =	vmul.f32 v44, v22;
	v35 =	vmul.f32 v35, v1;
	(xrf2) =	vadd.scan.msk.f32 $0xffff, v48;
	v43 =	vsub.f32 v55, v56  }
0xb1: {  	v32 =	vmul.f32 v32, v2;
	v34 =	vmul.f32 v34, v3;
	v30 =	vsub.f32 v30, v41  }
0xb2: {  	v29 =	vsub.f32 v29, v41;
	v31 =	vsub.f32 v31, v41;
	v59 =	vmax.f32 v43, $0.0e+00  }
0xb3: {  	v33 =	vmul.f32 v33, v4;
	v26 =	vsub.f32 v26, v41;
	v57, _, _ =	vpop (xrf2);
	(xrf2) =	vadd.scan.msk.f32 $0xffff, v47;
	v60 =	vadd.f32 $9.999999740e-06, v59  }
0xb4: {  	v24 =	vsub.f32 v24, v40;
	v30 =	vmul.f32 v30, v1;
	v42 =	vperm.xlane v57, v0  }
0xb5: {  	v58 =	vmul.f32 v44, v21;
	v61 =	vshra.s32 v60, $0x1;
	v41 =	vmul.f32 $5.000000000e-01, v60  }
0xb6: {  	v21 =	vmul.f32 $1.562500000e-02, v42;
	v42 =	vsub.f32 v23, v40;
	v23, _, _ =	vpop (xrf2);
	(xrf2) =	vadd.scan.msk.f32 $0xffff, v62;
	v44 =	vsub.s32 $0x5F3759DF, v61  }
0xb7: {  	v47 =	vsub.f32 v58, v40;
	v40 =	vsub.f32 v22, v40;
	v22 =	vmul.f32 v44, v41  }
0xb8: {  	v35 =	vadd.f32 v35, v5;
	v29 =	vmul.f32 v29, v2;
	v23 =	vperm.xlane v23, v0;
	v62, _, _ =	vpop (xrf2)  }
0xb9: {  	v34 =	vadd.f32 v34, v7;
	v46 =	vperm.xlane v62, v0;
	v55 =	vmul.f32 v44, v22  }
0xba: {  	v52 =	vadd.f32 v33, v8;
	v26 =	vmul.f32 v26, v4;
	v23 =	vmul.f32 $1.562500000e-02, v23;
	v56, _, _ =	vpop (xrf2)  }
0xbb: {  	v22 =	vmul.f32 $1.562500000e-02, v46;
	v46 =	vperm.xlane v56, v0;
	v49 =	vsub.f32 $1.500000000e+00, v55  }
0xbc: {  	v26 =	vadd.f32 v26, v8;
	v48 =	vadd.f32 v32, v6;
	v63 =	vmul.f32 v23, v23  }
0xbd: {  	v59, _, _ =	vpop (xrf2);
	v58 =	vmul.f32 $1.562500000e-02, v46;
	v46 =	vadd.f32 v29, v6;
	v44 =	vmul.f32 v44, v49  }
0xbe: {  	v29 =	vmul.f32 v31, v3;
	v49 =	vadd.f32 v30, v5;
	v30 =	vperm.xlane v59, v0  }
0xbf: {  	v43 =	vmul.f32 v21, v21;
	v31 =	vsub.f32 v58, v63;
	v60 =	vmul.f32 v44, v41  }
0xc0: {  	v42 =	vmul.f32 v42, v1;
	v61, _, _ =	vpop (xrf2);
	v62 =	vadd.f32 v29, v7;
	v30 =	vmul.f32 $1.562500000e-02, v30  }
0xc1: {  	s29 =	simm.s32 $0x16480;
	v29 =	vmax.f32 v31, $0.0e+00;
	v31 =	vperm.xlane v61, v0;
	v32 =	vmul.f32 v60, v44  }
0xc2: {  	[tilespmem:s29+$0x70] =	vst v37;
	v57 =	vmul.f32 v22, v22;
	v63 =	vadd.f32 $9.999999740e-06, v29;
	v43 =	vsub.f32 v30, v43  }
0xc3: {  	[tilespmem:s29+$0x60] =	vst v45;
	v30 =	vmul.f32 v24, v2;
	v24 =	vmul.f32 $1.562500000e-02, v31;
	v31 =	vsub.f32 $1.500000000e+00, v32  }
0xc4: {  	[tilespmem:s29+$0x40] =	vst v38;
	v29 =	vmul.f32 v47, v3;
	v47 =	vshra.s32 v63, $0x1;
	v32 =	vmul.f32 $5.000000000e-01, v63  }
0xc5: {  	[tilespmem:s29+$0x50] =	vst v39;
	v53 =	vmax.f32 v43, $0.0e+00;
	v24 =	vsub.f32 v24, v57;
	v54 =	vmul.f32 v31, v44  }
0xc6: {  	[tilespmem:s29+$0xFFFFFF80] =	vst v35;
	v55 =	vsub.s32 $0x5F3759DF, v47;
	v37 =	vadd.f32 $9.999999740e-06, v53;
	v31 =	vmul.f32 v40, v4  }
0xc7: {  	[tilespmem:s29+$0xFFFFFFA0] =	vst v34;
	v24 =	vmax.f32 v24, $0.0e+00;
	v33 =	vmul.f32 v54, v51;
	v56 =	vmul.f32 v54, v36  }
0xc8: {  	[tilespmem:s29+$0xFFFFFFB0] =	vst v52;
	v57 =	vshra.s32 v37, $0x1;
	v34 =	vmul.f32 $5.000000000e-01, v37;
	v24 =	vadd.f32 $9.999999740e-06, v24  }
0xc9: {  	[tilespmem:s29+$0xFFFFFFF0] =	vst v26;
	v58 =	vmul.f32 v55, v32;
	v36 =	vsub.s32 $0x5F3759DF, v57;
	v59 =	vsub.f32 v56, v33  }
0xca: {  	[tilespmem:s29+$0xFFFFFF90] =	vst v48;
	v60 =	vmul.f32 v36, v34;
	v61 =	vshra.s32 v24, $0x1;
	v35 =	vmul.f32 $5.000000000e-01, v24  }
0xcb: {  	[tilespmem:s29+$0xFFFFFFD0] =	vst v46;
	v24 =	vmul.f32 v55, v58;
	v37 =	vsub.s32 $0x5F3759DF, v61;
	v38 =	vmul.f32 v59, v4  }
0xcc: {  	[tilespmem:s29+$0xFFFFFFE0] =	vst v62;
	v62 =	vadd.f32 v42, v5;
	v39 =	vmul.f32 v36, v60;
	v40 =	vmul.f32 v37, v35  }
0xcd: {  	[tilespmem:s29+$0xFFFFFFC0] =	vst v49;
	v27 =	vmul.f32 v54, v27;
	v24 =	vsub.f32 $1.500000000e+00, v24;
	v63 =	vadd.f32 v38, v8  }
0xce: {  	s30 =	simm.s32 $0x16580;
	[tilespmem:s29+$0x0] =	vst v62;
	v26 =	vmul.f32 v54, v28;
	v38 =	vsub.f32 $1.500000000e+00, v39;
	v39 =	vmul.f32 v37, v40  }
0xcf: {  	s31 =	simm.s32 $0x4;
	s1 =	simm.s32 $0x6900;
	v27 =	vsub.f32 v27, v33;
	v28 =	vmul.f32 v55, v24;
	v24 =	vmul.f32 v54, v25;
	[tilespmem:s30+$0x70] =	vst v63  }
.LBB2_3:
0xd0: {  	v25 =	vld [tilespmem:s1+$0x80];
	v36 =	vmul.f32 v36, v38;
	v38 =	vsub.f32 $1.500000000e+00, v39;
	v39 =	vsub.f32 v26, v33  }
0xd1: {  	v26 =	vld [tilespmem:s1+$0x90];
	v32 =	vmul.f32 v28, v32;
	v40 =	vmul.f32 v27, v1;
	v33 =	vsub.f32 v24, v33  }
0xd2: {  	v30 =	vadd.f32 v30, v6;
	v24 =	vld [tilespmem:s1+$0xA0];
	v34 =	vmul.f32 v36, v34;
	v37 =	vmul.f32 v37, v38  }
0xd3: {  	v29 =	vadd.f32 v29, v7;
	v38 =	vmul.f32 v39, v2;
	v27 =	vld [tilespmem:s1+$0xB0];
	v32 =	vmul.f32 v32, v28  }
0xd4: {  	s31 =	sadd.s32 $0x4, s31;
	v39 =	vld [tilespmem:s1+$0xFFFFFF10];
	v34 =	vmul.f32 v34, v36;
	v35 =	vmul.f32 v37, v35;
	[tilespmem:s29+$0x10] =	vst v30;
	v30 =	vadd.f32 v31, v8  }
0xd5: {  	p0 =	slt.u32 s31, $0xFC;
	v40 =	vadd.f32 v40, v5;
	v33 =	vmul.f32 v33, v3;
	v31 =	vld [tilespmem:s1+$0xFFFFFF20];
	v32 =	vsub.f32 $1.500000000e+00, v32;
	[tilespmem:s29+$0x20] =	vst v29  }
0xd6: {  	v38 =	vadd.f32 v38, v6;
	v29 =	vld [tilespmem:s1+$0xFFFFFF30];
	v34 =	vsub.f32 $1.500000000e+00, v34;
	v35 =	vmul.f32 v35, v37;
	[tilespmem:s29+$0x30] =	vst v30;
	s29 =	smov.u32 s30  }
0xd7: {  	v41 =	vadd.f32 v26, v25;
	v30 =	vld [tilespmem:s1+$0xFFFFFF80];
	v28 =	vmul.f32 v32, v28;
	[tilespmem:s30+$0x40] =	vst v40;
	v32 =	vadd.f32 v33, v7  }
0xd8: {  	v42 =	vmul.f32 v25, v25;
	v43 =	vmul.f32 v26, v26;
	v33 =	vld [tilespmem:s1+$0xFFFFFF90];
	v40 =	vadd.f32 v27, v24;
	[tilespmem:s30+$0x50] =	vst v38  }
0xd9: {  	v44 =	vmul.f32 v24, v24;
	v45 =	vmul.f32 v27, v27;
	v35 =	vsub.f32 $1.500000000e+00, v35;
	v38 =	vld [tilespmem:s1+$0xFFFFFFA0];
	[tilespmem:s30+$0x60] =	vst v32  }
0xda: {  	v32 =	vmul.f32 v39, v39;
	v46 =	vmul.f32 v31, v31;
	v47 =	vld [tilespmem:s1+$0xFFFFFFB0];
	v40 =	vadd.f32 v40, v41  }
0xdb: {  	v42 =	vadd.f32 v43, v42;
	v43 =	vadd.f32 v45, v44;
	v41 =	vmul.f32 v29, v29;
	v48 =	vld [tilespmem:s1+$0x0]  }
0xdc: {  	v34 =	vmul.f32 v34, v36;
	v44 =	vadd.f32 v29, v31;
	v45 =	vmul.f32 v30, v30;
	v49 =	vld [tilespmem:s1+$0x10];
	(xrf2) =	vadd.scan.msk.f32 $0xffff, v40  }
0xdd: {  	v42 =	vadd.f32 v43, v42;
	v36 =	vadd.f32 v33, v30;
	v40 =	vmul.f32 v33, v33;
	v50 =	vld [tilespmem:s1+$0x20]  }
0xde: {  	v35 =	vmul.f32 v35, v37;
	v41 =	vadd.f32 v41, v46;
	v43 =	vmul.f32 v38, v38;
	v46 =	vld [tilespmem:s1+$0x30]  }
0xdf: {  	v37 =	vld [tilespmem:s1+$0xFFFFFF00];
	v51 =	vadd.f32 v47, v38;
	v52 =	vmul.f32 v47, v47;
	v40 =	vadd.f32 v40, v45;
	(xrf2) =	vadd.scan.msk.f32 $0xffff, v42  }
0xe0: {  	v23 =	vmul.f32 v28, v23;
	v42 =	vmul.f32 v48, v48  }
0xe1: {  	v36 =	vadd.f32 v51, v36;
	v45 =	vadd.f32 v49, v48;
	v51 =	vmul.f32 v49, v49  }
0xe2: {  	v53 =	vmul.f32 v28, v20;
	v43 =	vadd.f32 v52, v43;
	v52 =	vmul.f32 v50, v50  }
0xe3: {  	v54 =	vadd.f32 v46, v50;
	v55 =	vmul.f32 v46, v46;
	v42 =	vadd.f32 v51, v42;
	(xrf2) =	vadd.scan.msk.f32 $0xffff, v36  }
0xe4: {  	v40 =	vadd.f32 v43, v40;
	v36 =	vadd.f32 v39, v37;
	v51 =	vmul.f32 v37, v37;
	v20 =	vmovc v37  }
0xe5: {  	v37 =	vadd.f32 v54, v45;
	v43 =	vadd.f32 v55, v52;
	v45 =	vmul.f32 v28, v19;
	v19 =	vmovc v39  }
0xe6: {  	v36 =	vadd.f32 v44, v36;
	v32 =	vadd.f32 v32, v51;
	v39, _, _ =	vpop (xrf2);
	v44 =	vmul.f32 v28, v9  }
0xe7: {  	v51 =	vmul.f32 v34, v21;
	v9 =	vmovc v31;
	v42 =	vadd.f32 v43, v42;
	v43 =	vmul.f32 v28, v11  }
0xe8: {  	v31 =	vmul.f32 v34, v10;
	v52 =	vperm.xlane v39, v0;
	v21 =	vadd.f32 v41, v32;
	(xrf2) =	vadd.scan.msk.f32 $0xffff, v36  }
0xe9: {  	v39 =	vmul.f32 v34, v13;
	v32 =	vsub.f32 v53, v23;
	v36 =	vmul.f32 v34, v12;
	v10, _, _ =	vpop (xrf2)  }
0xea: {  	v11 =	vmovc v29;
	v41 =	vsub.f32 v45, v23;
	v28 =	vmul.f32 $1.562500000e-02, v52;
	v53 =	vperm.xlane v10, v0;
	v10 =	vmovc v30  }
0xeb: {  	v22 =	vmul.f32 v35, v22;
	v29 =	vsub.f32 v44, v23;
	v30 =	vmul.f32 v34, v18;
	(xrf2) =	vadd.scan.msk.f32 $0xffff, v37  }
0xec: {  	v13 =	vmovc v38;
	v12 =	vmovc v33;
	v34 =	vmul.f32 v28, v28;
	v37 =	vsub.f32 v43, v23;
	v44 =	vmul.f32 $1.562500000e-02, v53  }
0xed: {  	v38 =	vmul.f32 v35, v15;
	v31 =	vsub.f32 v31, v51;
	v33 =	vmul.f32 v35, v14;
	v23, _, _ =	vpop (xrf2)  }
0xee: {  	v43 =	vperm.xlane v23, v0;
	v44 =	vsub.f32 v44, v34;
	(xrf2) =	vadd.scan.msk.f32 $0xffff, v21;
	v23 =	vmul.f32 v35, v16  }
0xef: {  	v18 =	vmovc v47;
	v34 =	vsub.f32 v36, v51;
	v36 =	vsub.f32 v39, v51;
	v35 =	vmul.f32 v35, v17  }
0xf0: {  	v15 =	vmovc v49;
	v14 =	vmovc v48;
	v30 =	vsub.f32 v30, v51;
	v21 =	vmul.f32 $1.562500000e-02, v43;
	v39 =	vmax.f32 v44, $0.0e+00  }
0xf1: {  	v32 =	vmul.f32 v32, v1;
	v33 =	vsub.f32 v33, v22;
	v16 =	vmovc v50;
	v45 =	vadd.f32 $9.999999740e-06, v39;
	(xrf2) =	vadd.scan.msk.f32 $0xffff, v40  }
0xf2: {  	v38 =	vsub.f32 v38, v22;
	v43 =	vsub.f32 v23, v22;
	v39 =	vmul.f32 v21, v21;
	v40, _, _ =	vpop (xrf2)  }
0xf3: {  	v17 =	vmovc v46;
	v23 =	vperm.xlane v40, v0;
	v40 =	vshra.s32 v45, $0x1;
	v44 =	vmul.f32 $5.000000000e-01, v45  }
0xf4: {  	v41 =	vmul.f32 v41, v2;
	v35 =	vsub.f32 v35, v22;
	v40 =	vsub.s32 $0x5F3759DF, v40;
	(xrf2) =	vadd.scan.msk.f32 $0xffff, v42  }
0xf5: {  	v47 =	vadd.f32 v32, v5;
	v23 =	vmul.f32 $1.562500000e-02, v23;
	v22 =	vmul.f32 v40, v44;
	v42, _, _ =	vpop (xrf2)  }
0xf6: {  	v29 =	vmul.f32 v29, v3;
	v41 =	vadd.f32 v41, v6;
	v42 =	vperm.xlane v42, v0  }
0xf7: {  	v45 =	vmul.f32 v23, v23;
	v46 =	vmul.f32 v40, v22;
	[tilespmem:s30+$0xFFFFFF80] =	vst v47  }
0xf8: {  	v29 =	vadd.f32 v29, v7;
	v37 =	vmul.f32 v37, v4;
	v22 =	vmul.f32 $1.562500000e-02, v42;
	v32, _, _ =	vpop (xrf2);
	[tilespmem:s30+$0xFFFFFF90] =	vst v41  }
0xf9: {  	v31 =	vmul.f32 v31, v1;
	v32 =	vperm.xlane v32, v0;
	v41 =	vsub.f32 $1.500000000e+00, v46  }
0xfa: {  	v34 =	vmul.f32 v34, v2;
	v42 =	vmul.f32 v22, v22;
	[tilespmem:s30+$0xFFFFFFA0] =	vst v29;
	v29 =	vadd.f32 v37, v8  }
0xfb: {  	v31 =	vadd.f32 v31, v5;
	v32 =	vmul.f32 $1.562500000e-02, v32;
	v37 =	vmul.f32 v40, v41;
	v40, _, _ =	vpop (xrf2)  }
0xfc: {  	v41 =	vperm.xlane v40, v0;
	[tilespmem:s30+$0xFFFFFFB0] =	vst v29;
	v29 =	vadd.f32 v34, v6;
	v34 =	vmul.f32 v36, v3  }
0xfd: {  	v32 =	vsub.f32 v32, v45;
	v36 =	vmul.f32 v37, v44;
	[tilespmem:s30+$0xFFFFFFC0] =	vst v31;
	v31 =	vmul.f32 v30, v4  }
0xfe: {  	v30 =	vmul.f32 $1.562500000e-02, v41;
	v40, _, _ =	vpop (xrf2);
	[tilespmem:s30+$0xFFFFFFD0] =	vst v29;
	v29 =	vadd.f32 v34, v7;
	v41 =	vmul.f32 v33, v1  }
0xff: {  	v32 =	vmax.f32 v32, $0.0e+00;
	v33 =	vperm.xlane v40, v0;
	v34 =	vmul.f32 v36, v37  }
0x100: {  	v32 =	vadd.f32 $9.999999740e-06, v32;
	v36 =	vsub.f32 v30, v39;
	[tilespmem:s30+$0xFFFFFFE0] =	vst v29;
	v30 =	vmul.f32 v38, v2  }
0x101: {  	v29 =	vmul.f32 v43, v3;
	v33 =	vmul.f32 $1.562500000e-02, v33;
	v34 =	vsub.f32 $1.500000000e+00, v34  }
0x102: {  	v38 =	vshra.s32 v32, $0x1;
	v32 =	vmul.f32 $5.000000000e-01, v32;
	v36 =	vmax.f32 v36, $0.0e+00  }
0x103: {  	v36 =	vadd.f32 $9.999999740e-06, v36;
	v33 =	vsub.f32 v33, v42;
	v40 =	vmul.f32 v34, v37  }
0x104: {  	v42 =	vsub.s32 $0x5F3759DF, v38;
	v37 =	vadd.f32 v31, v8;
	v31 =	vmul.f32 v35, v4  }
0x105: {  	v35 =	vmax.f32 v33, $0.0e+00;
	v33 =	vmul.f32 v40, v28;
	v27 =	vmul.f32 v40, v27  }
0x106: {  	v28 =	vshra.s32 v36, $0x1;
	v34 =	vmul.f32 $5.000000000e-01, v36;
	v35 =	vadd.f32 $9.999999740e-06, v35;
	[tilespmem:s30+$0xFFFFFFF0] =	vst v37  }
0x107: {  	v37 =	vmul.f32 v42, v32;
	v36 =	vsub.s32 $0x5F3759DF, v28;
	v27 =	vsub.f32 v27, v33  }
0x108: {  	v28 =	vmul.f32 v36, v34;
	v38 =	vshra.s32 v35, $0x1;
	v35 =	vmul.f32 $5.000000000e-01, v35  }
.Ltmp0:
0x109: {  	v39 =	vmul.f32 v42, v37;
	v37 =	vsub.s32 $0x5F3759DF, v38;
	v27 =	vmul.f32 v27, v4;
	(pc) =	sbr.rel @p0 .LBB2_3-.Ltmp0, $4  }
0x10a: {  	v41 =	vadd.f32 v41, v5;
	v28 =	vmul.f32 v36, v28;
	v43 =	vmul.f32 v37, v35  }
0x10b: {  	v25 =	vmul.f32 v40, v25;
	v44 =	vsub.f32 $1.500000000e+00, v39;
	v45 =	vadd.f32 v27, v8  }
0x10c: {  	v26 =	vmul.f32 v40, v26;
	s30 =	sadd.s32 $0x100, s30;
	v38 =	vsub.f32 $1.500000000e+00, v28;
	v39 =	vmul.f32 v37, v43;
	[tilespmem:s29+$0x0] =	vst v41  }
0x10d: {  	s1 =	sadd.s32 $0x200, s1;
	v24 =	vmul.f32 v40, v24;
	v27 =	vsub.f32 v25, v33;
	v28 =	vmul.f32 v42, v44;
	[tilespmem:s30+$0x70] =	vst v45  }
0x10e: {  	v36 =	vmul.f32 v36, v38  }
0x10f: {  	v25 =	vsub.f32 $1.500000000e+00, v39;
	v32 =	vmul.f32 v28, v32  }
0x110: {  	v34 =	vmul.f32 v36, v34  }
0x111: {  	v25 =	vmul.f32 v37, v25;
	v32 =	vmul.f32 v32, v28  }
0x112: {  	v26 =	vsub.f32 v26, v33;
	v56 =	vmul.f32 v34, v36  }
0x113: {  	v24 =	vsub.f32 v24, v33;
	v35 =	vmul.f32 v25, v35;
	v32 =	vsub.f32 $1.500000000e+00, v32  }
0x114: {  	v27 =	vmul.f32 v27, v1;
	v26 =	vmul.f32 v26, v2;
	v33 =	vsub.f32 $1.500000000e+00, v56  }
0x115: {  	v30 =	vadd.f32 v30, v6;
	v57 =	vmul.f32 v35, v25;
	v28 =	vmul.f32 v32, v28  }
0x116: {  	v29 =	vadd.f32 v29, v7;
	v24 =	vmul.f32 v24, v3;
	v58 =	vmul.f32 v33, v36  }
0x117: {  	v34 =	vsub.f32 $1.500000000e+00, v57;
	v23 =	vmul.f32 v28, v23;
	v20 =	vmul.f32 v28, v20  }
0x118: {  	v31 =	vadd.f32 v31, v8;
	v19 =	vmul.f32 v28, v19;
	v9 =	vmul.f32 v28, v9  }
0x119: {  	v27 =	vadd.f32 v27, v5;
	v11 =	vmul.f32 v28, v11;
	v25 =	vmul.f32 v34, v25  }
0x11a: {  	v26 =	vadd.f32 v26, v6;
	v21 =	vmul.f32 v58, v21;
	v10 =	vmul.f32 v58, v10  }
0x11b: {  	v24 =	vadd.f32 v24, v7;
	v12 =	vmul.f32 v58, v12;
	v13 =	vmul.f32 v58, v13  }
0x11c: {  	[tilespmem:s29+$0x10] =	vst v30;
	v18 =	vmul.f32 v58, v18;
	v20 =	vsub.f32 v20, v23;
	v19 =	vsub.f32 v19, v23  }
0x11d: {  	[tilespmem:s29+$0x20] =	vst v29;
	v9 =	vsub.f32 v9, v23;
	v22 =	vmul.f32 v25, v22;
	v14 =	vmul.f32 v25, v14  }
0x11e: {  	[tilespmem:s29+$0x30] =	vst v31;
	v11 =	vsub.f32 v11, v23;
	v15 =	vmul.f32 v25, v15;
	v20 =	vmul.f32 v20, v1  }
0x11f: {  	[tilespmem:s30+$0x40] =	vst v27;
	v10 =	vsub.f32 v10, v21;
	v16 =	vmul.f32 v25, v16;
	v19 =	vmul.f32 v19, v2  }
0x120: {  	[tilespmem:s30+$0x50] =	vst v26;
	v12 =	vsub.f32 v12, v21;
	v9 =	vmul.f32 v9, v3;
	v20 =	vadd.f32 v20, v5  }
0x121: {  	[tilespmem:s30+$0x60] =	vst v24;
	v13 =	vsub.f32 v13, v21;
	v11 =	vmul.f32 v11, v4;
	v19 =	vadd.f32 v19, v6  }
0x122: {  	v17 =	vmul.f32 v25, v17;
	v10 =	vmul.f32 v10, v1;
	v9 =	vadd.f32 v9, v7;
	[tilespmem:s30+$0xFFFFFF80] =	vst v20  }
0x123: {  	v18 =	vsub.f32 v18, v21;
	v12 =	vmul.f32 v12, v2;
	v11 =	vadd.f32 v11, v8;
	[tilespmem:s30+$0xFFFFFF90] =	vst v19  }
0x124: {  	v14 =	vsub.f32 v14, v22;
	[tilespmem:s30+$0xFFFFFFA0] =	vst v9;
	v9 =	vadd.f32 v10, v5;
	v10 =	vmul.f32 v13, v3  }
0x125: {  	v13 =	vsub.f32 v15, v22;
	[tilespmem:s30+$0xFFFFFFB0] =	vst v11;
	v11 =	vadd.f32 v12, v6;
	v12 =	vmul.f32 v18, v4  }
0x126: {  	v15 =	vsub.f32 v16, v22;
	[tilespmem:s30+$0xFFFFFFC0] =	vst v9;
	v9 =	vadd.f32 v10, v7;
	v10 =	vmul.f32 v14, v1  }
0x127: {  	v14 =	vsub.f32 v17, v22;
	[tilespmem:s30+$0xFFFFFFD0] =	vst v11;
	v11 =	vmul.f32 v13, v2;
	v12 =	vadd.f32 v12, v8  }
0x128: {  	[tilespmem:s30+$0xFFFFFFE0] =	vst v9;
	v9 =	vmul.f32 v15, v3;
	v10 =	vadd.f32 v10, v5  }
0x129: {  	v13 =	vmul.f32 v14, v4;
	[tilespmem:s30+$0xFFFFFFF0] =	vst v12;
	v11 =	vadd.f32 v11, v6  }
0x12a: {  	s1 =	sshll.u32 s26, $0x10;
	[tilespmem:s30+$0x0] =	vst v10;
	v9 =	vadd.f32 v9, v7  }
0x12b: {  	s1 =	sadd.s32 s8, s1;
	[tilespmem:s30+$0x10] =	vst v11;
	v10 =	vadd.f32 v13, v8  }
0x12c: {  	s1 =	sshrl.u32 s1, $0x3;
	[tilespmem:s30+$0x20] =	vst v9  }
0x12d: {  	s1 =	sadd.s32 s6, s1;
	[tilespmem:s30+$0x30] =	vst v10  }
0x12e: {  	[hbm4b:s1+s19] =	stream.strided.scatter [tilespmem:s20], [sflag:$0x3], $0x4000, s13, s19, $0x38;
	[tilespmem:$0x1E480] =	vst v63  }
0x12f: {  	_ =	swait.ge [sflag:s21], $0x4000  }
0x130: {  	[sflag:s21] =	ssyncset.done $0x0  }
0x131: {  	[sflag:s21] =	ssyncadd.s32 $0xFFFFC000  }
0x132: {  	p0 =	seq.s32 s26, $0x31;
	_ =	swait.ge [sflag:s21], $0x4000  }
0x133: {  	s1 =	sshll.u32 @!p0 s26, $0x9;
	[sflag:s21] =	ssyncset.done $0x0  }
0x134: {  	s1 =	sand.u32 @!p0 $0x3FFFFE00, s1;
	[sflag:s21] =	ssyncadd.s32 $0xFFFFC000  }
0x135: {  	v9 =	vld @!p0 [tilespmem:s1+$0x200]  }
0x136: {  	v10 =	vld @!p0 [tilespmem:s1+$0x210]  }
0x137: {  	v11 =	vld @!p0 [tilespmem:s1+$0x220]  }
0x138: {  	v12 =	vld @!p0 [tilespmem:s1+$0x230]  }
0x139: {  	v13 =	vld @!p0 [tilespmem:s1+$0x240]  }
0x13a: {  	v14 =	vld @!p0 [tilespmem:s1+$0x250];
	vm0 =	vlt.s32 @!p0 v9, $0xF423F  }
0x13b: {  	v15 =	vld @!p0 [tilespmem:s1+$0x260];
	v9 =	vnsel @!p0 vm0, $0xF423F, v9;
	vm0 =	vlt.s32 @!p0 v10, $0xF423F  }
0x13c: {  	[tilespmem:s1+$0x200] =	vst @!p0 v9;
	v9 =	vnsel @!p0 vm0, $0xF423F, v10;
	vm0 =	vlt.s32 @!p0 v11, $0xF423F;
	v10 =	vld @!p0 [tilespmem:s1+$0x270]  }
0x13d: {  	[tilespmem:s1+$0x210] =	vst @!p0 v9;
	v9 =	vnsel @!p0 vm0, $0xF423F, v11;
	vm0 =	vlt.s32 @!p0 v12, $0xF423F;
	v11 =	vld @!p0 [tilespmem:s1+$0x280]  }
0x13e: {  	[tilespmem:s1+$0x220] =	vst @!p0 v9;
	v9 =	vnsel @!p0 vm0, $0xF423F, v12;
	vm0 =	vlt.s32 @!p0 v13, $0xF423F;
	v12 =	vld @!p0 [tilespmem:s1+$0x290]  }
0x13f: {  	[tilespmem:s1+$0x230] =	vst @!p0 v9;
	v9 =	vnsel @!p0 vm0, $0xF423F, v13;
	vm0 =	vlt.s32 @!p0 v14, $0xF423F;
	v13 =	vld @!p0 [tilespmem:s1+$0x2A0]  }
0x140: {  	[tilespmem:s1+$0x240] =	vst @!p0 v9;
	v9 =	vnsel @!p0 vm0, $0xF423F, v14;
	vm0 =	vlt.s32 @!p0 v15, $0xF423F;
	v14 =	vld @!p0 [tilespmem:s1+$0x2B0]  }
0x141: {  	[tilespmem:s1+$0x250] =	vst @!p0 v9;
	v9 =	vnsel @!p0 vm0, $0xF423F, v15;
	vm0 =	vlt.s32 @!p0 v10, $0xF423F;
	v15 =	vld @!p0 [tilespmem:s1+$0x2C0]  }
0x142: {  	[tilespmem:s1+$0x260] =	vst @!p0 v9;
	v9 =	vnsel @!p0 vm0, $0xF423F, v10;
	vm0 =	vlt.s32 @!p0 v11, $0xF423F;
	v10 =	vld @!p0 [tilespmem:s1+$0x2D0]  }
0x143: {  	[tilespmem:s1+$0x270] =	vst @!p0 v9;
	v9 =	vnsel @!p0 vm0, $0xF423F, v11;
	vm0 =	vlt.s32 @!p0 v12, $0xF423F;
	v11 =	vld @!p0 [tilespmem:s1+$0x2E0]  }
0x144: {  	[tilespmem:s1+$0x280] =	vst @!p0 v9;
	v9 =	vnsel @!p0 vm0, $0xF423F, v12;
	vm0 =	vlt.s32 @!p0 v13, $0xF423F;
	v12 =	vld @!p0 [tilespmem:s1+$0x2F0]  }
0x145: {  	[tilespmem:s1+$0x290] =	vst @!p0 v9;
	v9 =	vnsel @!p0 vm0, $0xF423F, v13;
	vm0 =	vlt.s32 @!p0 v14, $0xF423F  }
0x146: {  	[tilespmem:s1+$0x2A0] =	vst @!p0 v9;
	v9 =	vnsel @!p0 vm0, $0xF423F, v14;
	vm0 =	vlt.s32 @!p0 v15, $0xF423F  }
0x147: {  	[tilespmem:s1+$0x2B0] =	vst @!p0 v9;
	v9 =	vnsel @!p0 vm0, $0xF423F, v15;
	vm0 =	vlt.s32 @!p0 v10, $0xF423F  }
0x148: {  	[tilespmem:s1+$0x2C0] =	vst @!p0 v9;
	v9 =	vnsel @!p0 vm0, $0xF423F, v10;
	vm0 =	vlt.s32 @!p0 v11, $0xF423F  }
0x149: {  	[tilespmem:s1+$0x2D0] =	vst @!p0 v9;
	v9 =	vnsel @!p0 vm0, $0xF423F, v11;
	vm0 =	vlt.s32 @!p0 v12, $0xF423F  }
0x14a: {  	[tilespmem:s1+$0x2E0] =	vst @!p0 v9;
	v9 =	vnsel @!p0 vm0, $0xF423F, v12  }
0x14b: {  	s31 =	simm.s32 @!p0 $0x6400;
	s30 =	simm.s32 @!p0 $0x80;
	s29 =	sadd.s32 @!p0 $0x200, s1;
	[tilespmem:s1+$0x2F0] =	vst @!p0 v9  }
0x14c: {  	[tilespmem:s31], [sflag:$0x1] =	stream.indirect.gather @!p0 [hbm4b:s5+s30], $0x80, s29, s30, $0xb8;
	[tilespmem:$0x1E480] =	vst v63  }
0x14d: {  	p1 =	seq.s32 @!p0 s26, $0x0;
	s1 =	sadd.s32 @!p0 $0x280, s1;
	s29 =	simm.s32 @!p0 $0xA400  }
0x14e: {  	[tilespmem:s29], [sflag:$0x1] =	stream.indirect.gather @!p0 [hbm4b:s5+s30], $0x80, s1, s30, $0xb8;
	[tilespmem:$0x1E480] =	vst v63  }
0x14f: {  	p0 =	por p0, !p1  }
0x150: {  	_ =	swait.ge @p0 [sflag:s24], $0x4000  }
0x151: {  	[sflag:s24] =	ssyncset.done @p0 $0x0  }
0x152: {  	s1 =	simm.s32 $0xE500;
	[sflag:s24] =	ssyncadd.s32 @p0 $0xFFFFC000  }
0x153: {  	v11 =	vld [tilespmem:s1+$0x80]  }
0x154: {  	v10 =	vld [tilespmem:s1+$0x90]  }
0x155: {  	v9 =	vld [tilespmem:s1+$0xA0]  }
0x156: {  	v12 =	vld [tilespmem:s1+$0xB0];
	_ =	sdelay $0x3  }
0x157: {  	v34 =	vld [tilespmem:s1+$0xFFFFFF20];
	v13 =	vadd.f32 v10, v11  }
0x158: {  	v30 =	vld [tilespmem:s1+$0xFFFFFF80];
	v14 =	vadd.f32 v12, v9;
	v15 =	vmul.f32 v11, v11;
	v16 =	vmul.f32 v10, v10  }
0x159: {  	v29 =	vld [tilespmem:s1+$0xFFFFFF90];
	v17 =	vmul.f32 v9, v9;
	v18 =	vmul.f32 v12, v12  }
0x15a: {  	v31 =	vld [tilespmem:s1+$0xFFFFFFA0];
	v13 =	vadd.f32 v14, v13  }
0x15b: {  	v26 =	vld [tilespmem:s1+$0xFFFFFFB0];
	v14 =	vadd.f32 v16, v15;
	v15 =	vadd.f32 v18, v17  }
0x15c: {  	v23 =	vld [tilespmem:s1+$0x0]  }
0x15d: {  	v24 =	vld [tilespmem:s1+$0x10];
	(xrf2) =	vadd.scan.msk.f32 $0xffff, v13;
	v13 =	vadd.f32 v15, v14  }
0x15e: {  	v21 =	vld [tilespmem:s1+$0x20]  }
0x15f: {  	v35 =	vld [tilespmem:s1+$0xFFFFFF00];
	(xrf2) =	vadd.scan.msk.f32 $0xffff, v13  }
0x160: {  	v22 =	vld [tilespmem:s1+$0x30]  }
0x161: {  	v33 =	vld [tilespmem:s1+$0xFFFFFF30]  }
0x162: {  	v32 =	vld [tilespmem:s1+$0xFFFFFF10]  }
0x163: {  	v19 =	vmul.f32 v29, v29  }
0x164: {  	v20 =	vadd.f32 v26, v31;
	v25 =	vmul.f32 v26, v26;
	v28 =	vadd.f32 v24, v23  }
0x165: {  	v59 =	vadd.f32 v22, v21;
	v60 =	vmul.f32 v35, v35;
	v18 =	vadd.f32 v29, v30  }
0x166: {  	v16 =	vadd.f32 v33, v34;
	v17 =	vmul.f32 v30, v30;
	v14 =	vmul.f32 v34, v34  }
0x167: {  	v15 =	vmul.f32 v33, v33;
	v18 =	vadd.f32 v20, v18;
	v20 =	vadd.f32 v32, v35;
	v27, _, _ =	vpop (xrf2)  }
0x168: {  	v17 =	vadd.f32 v19, v17;
	v19 =	vmul.f32 v23, v23;
	v27 =	vperm.xlane v27, v0  }
0x169: {  	v13 =	vmul.f32 v32, v32;
	v14 =	vadd.f32 v15, v14;
	v15 =	vmul.f32 v31, v31;
	v61, _, _ =	vpop (xrf2)  }
0x16a: {  	v16 =	vadd.f32 v16, v20;
	v20 =	vperm.xlane v61, v0;
	v27 =	vmul.f32 $1.562500000e-02, v27  }
0x16b: {  	v13 =	vadd.f32 v13, v60;
	v15 =	vadd.f32 v25, v15;
	v25 =	vmul.f32 v22, v22;
	(xrf2) =	vadd.scan.msk.f32 $0xffff, v18  }
0x16c: {  	v18 =	vadd.f32 v59, v28;
	(xrf2) =	vadd.scan.msk.f32 $0xffff, v16;
	v16 =	vmul.f32 $1.562500000e-02, v20;
	v20 =	vmul.f32 v27, v27  }
0x16d: {  	v13 =	vadd.f32 v14, v13;
	v14 =	vmul.f32 v21, v21;
	v28 =	vmul.f32 v24, v24  }
0x16e: {  	(xrf2) =	vadd.scan.msk.f32 $0xffff, v18;
	v16 =	vsub.f32 v16, v20  }
0x16f: {  	v14 =	vadd.f32 v25, v14;
	(xrf2) =	vadd.scan.msk.f32 $0xffff, v13;
	v13 =	vadd.f32 v28, v19  }
0x170: {  	v15 =	vadd.f32 v15, v17;
	v16 =	vmax.f32 v16, $0.0e+00  }
0x171: {  	v13 =	vadd.f32 v14, v13;
	v16 =	vadd.f32 $9.999999740e-06, v16;
	_ =	sdelay $0x1  }
0x172: {  	(xrf2) =	vadd.scan.msk.f32 $0xffff, v15;
	v14 =	vshra.s32 v16, $0x1;
	v15 =	vmul.f32 $5.000000000e-01, v16  }
0x173: {  	(xrf2) =	vadd.scan.msk.f32 $0xffff, v13;
	v14 =	vsub.s32 $0x5F3759DF, v14  }
0x174: {  	v13, _, _ =	vpop (xrf2);
	v16 =	vmul.f32 v14, v15  }
0x175: {  	v13 =	vperm.xlane v13, v0  }
0x176: {  	v17, _, _ =	vpop (xrf2);
	v16 =	vmul.f32 v14, v16  }
0x177: {  	v17 =	vperm.xlane v17, v0  }
0x178: {  	v18, _, _ =	vpop (xrf2);
	v41 =	vmul.f32 $1.562500000e-02, v13;
	v16 =	vsub.f32 $1.500000000e+00, v16  }
0x179: {  	v42 =	vmul.f32 $1.562500000e-02, v17;
	v13, _, _ =	vpop (xrf2);
	v17 =	vperm.xlane v18, v0  }
0x17a: {  	v13 =	vperm.xlane v13, v0;
	v14 =	vmul.f32 v14, v16  }
0x17b: {  	v19 =	vmul.f32 v41, v41;
	v18 =	vmul.f32 v42, v42  }
0x17c: {  	v13 =	vmul.f32 $1.562500000e-02, v13;
	v16, _, _ =	vpop (xrf2);
	v15 =	vmul.f32 v14, v15  }
0x17d: {  	v40 =	vmul.f32 $1.562500000e-02, v17;
	v16 =	vperm.xlane v16, v0;
	v17, _, _ =	vpop (xrf2)  }
0x17e: {  	v13 =	vsub.f32 v13, v18;
	v17 =	vperm.xlane v17, v0;
	v15 =	vmul.f32 v15, v14  }
0x17f: {  	v18 =	vmul.f32 v40, v40;
	v16 =	vmul.f32 $1.562500000e-02, v16  }
0x180: {  	v13 =	vmax.f32 v13, $0.0e+00;
	v17 =	vmul.f32 $1.562500000e-02, v17;
	v15 =	vsub.f32 $1.500000000e+00, v15  }
0x181: {  	v13 =	vadd.f32 $9.999999740e-06, v13;
	v16 =	vsub.f32 v16, v19  }
0x182: {  	v17 =	vsub.f32 v17, v18;
	v14 =	vmul.f32 v15, v14  }
0x183: {  	v15 =	vshra.s32 v13, $0x1;
	v13 =	vmul.f32 $5.000000000e-01, v13;
	v16 =	vmax.f32 v16, $0.0e+00  }
0x184: {  	v15 =	vsub.s32 $0x5F3759DF, v15;
	v16 =	vadd.f32 $9.999999740e-06, v16;
	v18 =	vmul.f32 v14, v27  }
0x185: {  	v17 =	vmax.f32 v17, $0.0e+00;
	v12 =	vmul.f32 v14, v12;
	v20 =	vmul.f32 v15, v13  }
0x186: {  	v11 =	vmul.f32 v14, v11;
	v10 =	vmul.f32 v14, v10;
	v17 =	vadd.f32 $9.999999740e-06, v17  }
0x187: {  	s1 =	simm.s32 $0xE700;
	v19 =	vshra.s32 v16, $0x1;
	v16 =	vmul.f32 $5.000000000e-01, v16;
	v20 =	vmul.f32 v15, v20  }
0x188: {  	v36 =	vld [tilespmem:s1+$0xB0];
	v19 =	vsub.s32 $0x5F3759DF, v19;
	v27 =	vshra.s32 v17, $0x1;
	v17 =	vmul.f32 $5.000000000e-01, v17  }
0x189: {  	v14 =	vmul.f32 v14, v9;
	v25 =	vmul.f32 v19, v16;
	v62 =	vsub.s32 $0x5F3759DF, v27  }
0x18a: {  	v12 =	vsub.f32 v12, v18;
	v20 =	vsub.f32 $1.500000000e+00, v20;
	v27 =	vmul.f32 v62, v17  }
0x18b: {  	v11 =	vsub.f32 v11, v18;
	v10 =	vsub.f32 v10, v18;
	v25 =	vmul.f32 v19, v25  }
0x18c: {  	v45 =	vsub.f32 v14, v18;
	v18 =	vld [tilespmem:s1+$0xFFFFFFB0];
	v20 =	vmul.f32 v15, v20;
	v28 =	vmul.f32 v62, v27  }
0x18d: {  	v49 =	vmul.f32 v36, v36;
	v12 =	vmul.f32 v12, v4;
	v27 =	vld [tilespmem:s1+$0x80];
	v25 =	vsub.f32 $1.500000000e+00, v25  }
0x18e: {  	v45 =	vmul.f32 v45, v3;
	v9 =	vmul.f32 v20, v13;
	v15 =	vsub.f32 $1.500000000e+00, v28;
	v28 =	vld [tilespmem:s1+$0x90]  }
0x18f: {  	v13 =	vmul.f32 v11, v1;
	v43 =	vmul.f32 v19, v25;
	v25 =	vld [tilespmem:s1+$0xA0]  }
0x190: {  	v37 =	vadd.f32 v12, v8;
	v44 =	vmul.f32 v62, v15;
	v15 =	vmul.f32 v9, v20  }
0x191: {  	v45 =	vadd.f32 v45, v7;
	v11 =	vld [tilespmem:s1+$0xFFFFFF30];
	v62 =	vmul.f32 v18, v18;
	v12 =	vmul.f32 v43, v16  }
0x192: {  	v38 =	vadd.f32 v13, v5;
	v13 =	vld [tilespmem:s1+$0xFFFFFFA0];
	v16 =	vmul.f32 v10, v2;
	v19 =	vmul.f32 v27, v27  }
0x193: {  	v9 =	vld [tilespmem:s1+$0xFFFFFF20];
	v14 =	vmul.f32 v44, v17;
	v46 =	vsub.f32 $1.500000000e+00, v15;
	v12 =	vmul.f32 v12, v43  }
0x194: {  	v10 =	vld [tilespmem:s1+$0xFFFFFF80];
	v15 =	vadd.f32 v28, v27;
	v48 =	vmul.f32 v28, v28;
	v17 =	vadd.f32 v36, v25  }
0x195: {  	v39 =	vadd.f32 v16, v6;
	v14 =	vmul.f32 v14, v44;
	v16 =	vmul.f32 v25, v25  }
0x196: {  	v46 =	vmul.f32 v46, v20;
	v20 =	vld [tilespmem:s1+$0xFFFFFF00];
	v47 =	vsub.f32 $1.500000000e+00, v12;
	v51 =	vadd.f32 v17, v15  }
0x197: {  	v63 =	vmul.f32 v11, v11;
	v12 =	vld [tilespmem:s1+$0xFFFFFF90];
	v17 =	vadd.f32 v48, v19;
	v19 =	vadd.f32 v49, v16  }
0x198: {  	v61 =	vmul.f32 v13, v13;
	v52 =	vmul.f32 v9, v9;
	v50 =	vsub.f32 $1.500000000e+00, v14;
	v14 =	vld [tilespmem:s1+$0x0]  }
0x199: {  	v15 =	vld [tilespmem:s1+$0x10];
	v53 =	vmul.f32 v10, v10;
	v42 =	vmul.f32 v46, v42;
	v56 =	vadd.f32 v19, v17;
	(xrf2) =	vadd.scan.msk.f32 $0xffff, v51  }
0x19a: {  	v60 =	vadd.f32 v18, v13;
	v16 =	vld [tilespmem:s1+$0x20];
	v35 =	vmul.f32 v46, v35;
	v32 =	vmul.f32 v46, v32  }
0x19b: {  	v49 =	vadd.f32 v11, v9;
	v34 =	vmul.f32 v46, v34;
	v33 =	vmul.f32 v46, v33;
	v17 =	vld [tilespmem:s1+$0x30];
	(xrf2) =	vadd.scan.msk.f32 $0xffff, v56  }
0x19c: {  	v48 =	vadd.f32 v63, v52;
	v19 =	vld [tilespmem:s1+$0xFFFFFF10];
	v54 =	vadd.f32 v12, v10;
	v55 =	vmul.f32 v12, v12  }
0x19d: {  	v43 =	vmul.f32 v47, v43;
	v35 =	vsub.f32 v35, v42;
	v63 =	vmul.f32 v14, v14  }
0x19e: {  	v59 =	vmul.f32 v15, v15;
	v53 =	vadd.f32 v55, v53;
	v51 =	vadd.f32 v60, v54  }
0x19f: {  	v44 =	vmul.f32 v50, v44;
	v60 =	vadd.f32 v62, v61;
	v61 =	vadd.f32 v15, v14  }
0x1a0: {  	v41 =	vmul.f32 v43, v41;
	v62 =	vadd.f32 v17, v16;
	v54 =	vadd.f32 v59, v63  }
0x1a1: {  	v63 =	vmul.f32 v16, v16;
	v56 =	vmul.f32 v17, v17;
	v57 =	vadd.f32 v19, v20  }
0x1a2: {  	v59 =	vmul.f32 v19, v19;
	v47 =	vadd.f32 v60, v53;
	v60 =	vmul.f32 v20, v20  }
0x1a3: {  	v30 =	vmul.f32 v43, v30;
	(xrf2) =	vadd.scan.msk.f32 $0xffff, v51;
	v50 =	vadd.f32 v62, v61;
	v58 =	vadd.f32 v56, v63;
	v61, _, _ =	vpop (xrf2)  }
0x1a4: {  	v49 =	vadd.f32 v49, v57;
	v51 =	vadd.f32 v59, v60;
	v63 =	vperm.xlane v61, v0  }
0x1a5: {  	v29 =	vmul.f32 v43, v29;
	v31 =	vmul.f32 v43, v31;
	v62 =	vadd.f32 v58, v54;
	v54, _, _ =	vpop (xrf2)  }
0x1a6: {  	(xrf2) =	vadd.scan.msk.f32 $0xffff, v49;
	v48 =	vadd.f32 v48, v51;
	v49 =	vperm.xlane v54, v0;
	v51 =	vmul.f32 $1.562500000e-02, v63  }
0x1a7: {  	v32 =	vsub.f32 v32, v42;
	v26 =	vmul.f32 v43, v26;
	v40 =	vmul.f32 v44, v40  }
0x1a8: {  	v34 =	vsub.f32 v34, v42;
	(xrf2) =	vadd.scan.msk.f32 $0xffff, v50;
	v55 =	vmul.f32 $1.562500000e-02, v49;
	v56 =	vmul.f32 v51, v51  }
0x1a9: {  	v33 =	vsub.f32 v33, v42;
	v23 =	vmul.f32 v44, v23;
	v24 =	vmul.f32 v44, v24  }
0x1aa: {  	v22 =	vmul.f32 v44, v22;
	v35 =	vmul.f32 v35, v1;
	(xrf2) =	vadd.scan.msk.f32 $0xffff, v48;
	v43 =	vsub.f32 v55, v56  }
0x1ab: {  	v32 =	vmul.f32 v32, v2;
	v34 =	vmul.f32 v34, v3;
	v30 =	vsub.f32 v30, v41  }
0x1ac: {  	v29 =	vsub.f32 v29, v41;
	v31 =	vsub.f32 v31, v41;
	v59 =	vmax.f32 v43, $0.0e+00  }
0x1ad: {  	v33 =	vmul.f32 v33, v4;
	v26 =	vsub.f32 v26, v41;
	v57, _, _ =	vpop (xrf2);
	(xrf2) =	vadd.scan.msk.f32 $0xffff, v47;
	v60 =	vadd.f32 $9.999999740e-06, v59  }
0x1ae: {  	v24 =	vsub.f32 v24, v40;
	v30 =	vmul.f32 v30, v1;
	v42 =	vperm.xlane v57, v0  }
0x1af: {  	v58 =	vmul.f32 v44, v21;
	v61 =	vshra.s32 v60, $0x1;
	v41 =	vmul.f32 $5.000000000e-01, v60  }
0x1b0: {  	v21 =	vmul.f32 $1.562500000e-02, v42;
	v42 =	vsub.f32 v23, v40;
	v23, _, _ =	vpop (xrf2);
	(xrf2) =	vadd.scan.msk.f32 $0xffff, v62;
	v44 =	vsub.s32 $0x5F3759DF, v61  }
0x1b1: {  	v47 =	vsub.f32 v58, v40;
	v40 =	vsub.f32 v22, v40;
	v22 =	vmul.f32 v44, v41  }
0x1b2: {  	v35 =	vadd.f32 v35, v5;
	v29 =	vmul.f32 v29, v2;
	v23 =	vperm.xlane v23, v0;
	v62, _, _ =	vpop (xrf2)  }
0x1b3: {  	v34 =	vadd.f32 v34, v7;
	v46 =	vperm.xlane v62, v0;
	v55 =	vmul.f32 v44, v22  }
0x1b4: {  	v52 =	vadd.f32 v33, v8;
	v26 =	vmul.f32 v26, v4;
	v23 =	vmul.f32 $1.562500000e-02, v23;
	v56, _, _ =	vpop (xrf2)  }
0x1b5: {  	v22 =	vmul.f32 $1.562500000e-02, v46;
	v46 =	vperm.xlane v56, v0;
	v49 =	vsub.f32 $1.500000000e+00, v55  }
0x1b6: {  	v26 =	vadd.f32 v26, v8;
	v48 =	vadd.f32 v32, v6;
	v63 =	vmul.f32 v23, v23  }
0x1b7: {  	v59, _, _ =	vpop (xrf2);
	v58 =	vmul.f32 $1.562500000e-02, v46;
	v46 =	vadd.f32 v29, v6;
	v44 =	vmul.f32 v44, v49  }
0x1b8: {  	v29 =	vmul.f32 v31, v3;
	v49 =	vadd.f32 v30, v5;
	v30 =	vperm.xlane v59, v0  }
0x1b9: {  	v43 =	vmul.f32 v21, v21;
	v31 =	vsub.f32 v58, v63;
	v60 =	vmul.f32 v44, v41  }
0x1ba: {  	v42 =	vmul.f32 v42, v1;
	v61, _, _ =	vpop (xrf2);
	v62 =	vadd.f32 v29, v7;
	v30 =	vmul.f32 $1.562500000e-02, v30  }
0x1bb: {  	s29 =	simm.s32 $0x1A480;
	v29 =	vmax.f32 v31, $0.0e+00;
	v31 =	vperm.xlane v61, v0;
	v32 =	vmul.f32 v60, v44  }
0x1bc: {  	[tilespmem:s29+$0x70] =	vst v37;
	v57 =	vmul.f32 v22, v22;
	v63 =	vadd.f32 $9.999999740e-06, v29;
	v43 =	vsub.f32 v30, v43  }
0x1bd: {  	[tilespmem:s29+$0x60] =	vst v45;
	v30 =	vmul.f32 v24, v2;
	v24 =	vmul.f32 $1.562500000e-02, v31;
	v31 =	vsub.f32 $1.500000000e+00, v32  }
0x1be: {  	[tilespmem:s29+$0x40] =	vst v38;
	v29 =	vmul.f32 v47, v3;
	v47 =	vshra.s32 v63, $0x1;
	v32 =	vmul.f32 $5.000000000e-01, v63  }
0x1bf: {  	[tilespmem:s29+$0x50] =	vst v39;
	v53 =	vmax.f32 v43, $0.0e+00;
	v24 =	vsub.f32 v24, v57;
	v54 =	vmul.f32 v31, v44  }
0x1c0: {  	[tilespmem:s29+$0xFFFFFF80] =	vst v35;
	v55 =	vsub.s32 $0x5F3759DF, v47;
	v37 =	vadd.f32 $9.999999740e-06, v53;
	v31 =	vmul.f32 v40, v4  }
0x1c1: {  	[tilespmem:s29+$0xFFFFFFA0] =	vst v34;
	v24 =	vmax.f32 v24, $0.0e+00;
	v33 =	vmul.f32 v54, v51;
	v56 =	vmul.f32 v54, v36  }
0x1c2: {  	[tilespmem:s29+$0xFFFFFFB0] =	vst v52;
	v57 =	vshra.s32 v37, $0x1;
	v34 =	vmul.f32 $5.000000000e-01, v37;
	v24 =	vadd.f32 $9.999999740e-06, v24  }
0x1c3: {  	[tilespmem:s29+$0xFFFFFFF0] =	vst v26;
	v58 =	vmul.f32 v55, v32;
	v36 =	vsub.s32 $0x5F3759DF, v57;
	v59 =	vsub.f32 v56, v33  }
0x1c4: {  	[tilespmem:s29+$0xFFFFFF90] =	vst v48;
	v60 =	vmul.f32 v36, v34;
	v61 =	vshra.s32 v24, $0x1;
	v35 =	vmul.f32 $5.000000000e-01, v24  }
0x1c5: {  	[tilespmem:s29+$0xFFFFFFD0] =	vst v46;
	v24 =	vmul.f32 v55, v58;
	v37 =	vsub.s32 $0x5F3759DF, v61;
	v38 =	vmul.f32 v59, v4  }
0x1c6: {  	[tilespmem:s29+$0xFFFFFFE0] =	vst v62;
	v62 =	vadd.f32 v42, v5;
	v39 =	vmul.f32 v36, v60;
	v40 =	vmul.f32 v37, v35  }
0x1c7: {  	[tilespmem:s29+$0xFFFFFFC0] =	vst v49;
	v27 =	vmul.f32 v54, v27;
	v24 =	vsub.f32 $1.500000000e+00, v24;
	v63 =	vadd.f32 v38, v8  }
0x1c8: {  	s30 =	simm.s32 $0x1A580;
	[tilespmem:s29+$0x0] =	vst v62;
	v26 =	vmul.f32 v54, v28;
	v38 =	vsub.f32 $1.500000000e+00, v39;
	v39 =	vmul.f32 v37, v40  }
0x1c9: {  	s31 =	simm.s32 $0x4;
	s1 =	simm.s32 $0xE900;
	v27 =	vsub.f32 v27, v33;
	v28 =	vmul.f32 v55, v24;
	v24 =	vmul.f32 v54, v25;
	[tilespmem:s30+$0x70] =	vst v63  }
.LBB2_5:
0x1ca: {  	v25 =	vld [tilespmem:s1+$0x80];
	v36 =	vmul.f32 v36, v38;
	v38 =	vsub.f32 $1.500000000e+00, v39;
	v39 =	vsub.f32 v26, v33  }
0x1cb: {  	v26 =	vld [tilespmem:s1+$0x90];
	v32 =	vmul.f32 v28, v32;
	v40 =	vmul.f32 v27, v1;
	v33 =	vsub.f32 v24, v33  }
0x1cc: {  	v30 =	vadd.f32 v30, v6;
	v24 =	vld [tilespmem:s1+$0xA0];
	v34 =	vmul.f32 v36, v34;
	v37 =	vmul.f32 v37, v38  }
0x1cd: {  	v29 =	vadd.f32 v29, v7;
	v38 =	vmul.f32 v39, v2;
	v27 =	vld [tilespmem:s1+$0xB0];
	v32 =	vmul.f32 v32, v28  }
0x1ce: {  	s31 =	sadd.s32 $0x4, s31;
	v39 =	vld [tilespmem:s1+$0xFFFFFF10];
	v34 =	vmul.f32 v34, v36;
	v35 =	vmul.f32 v37, v35;
	[tilespmem:s29+$0x10] =	vst v30;
	v30 =	vadd.f32 v31, v8  }
0x1cf: {  	p0 =	slt.u32 s31, $0xFC;
	v40 =	vadd.f32 v40, v5;
	v33 =	vmul.f32 v33, v3;
	v31 =	vld [tilespmem:s1+$0xFFFFFF20];
	v32 =	vsub.f32 $1.500000000e+00, v32;
	[tilespmem:s29+$0x20] =	vst v29  }
0x1d0: {  	v38 =	vadd.f32 v38, v6;
	v29 =	vld [tilespmem:s1+$0xFFFFFF30];
	v34 =	vsub.f32 $1.500000000e+00, v34;
	v35 =	vmul.f32 v35, v37;
	[tilespmem:s29+$0x30] =	vst v30;
	s29 =	smov.u32 s30  }
0x1d1: {  	v41 =	vadd.f32 v26, v25;
	v30 =	vld [tilespmem:s1+$0xFFFFFF80];
	v28 =	vmul.f32 v32, v28;
	[tilespmem:s30+$0x40] =	vst v40;
	v32 =	vadd.f32 v33, v7  }
0x1d2: {  	v42 =	vmul.f32 v25, v25;
	v43 =	vmul.f32 v26, v26;
	v33 =	vld [tilespmem:s1+$0xFFFFFF90];
	v40 =	vadd.f32 v27, v24;
	[tilespmem:s30+$0x50] =	vst v38  }
0x1d3: {  	v44 =	vmul.f32 v24, v24;
	v45 =	vmul.f32 v27, v27;
	v35 =	vsub.f32 $1.500000000e+00, v35;
	v38 =	vld [tilespmem:s1+$0xFFFFFFA0];
	[tilespmem:s30+$0x60] =	vst v32  }
0x1d4: {  	v32 =	vmul.f32 v39, v39;
	v46 =	vmul.f32 v31, v31;
	v47 =	vld [tilespmem:s1+$0xFFFFFFB0];
	v40 =	vadd.f32 v40, v41  }
0x1d5: {  	v42 =	vadd.f32 v43, v42;
	v43 =	vadd.f32 v45, v44;
	v41 =	vmul.f32 v29, v29;
	v48 =	vld [tilespmem:s1+$0x0]  }
0x1d6: {  	v34 =	vmul.f32 v34, v36;
	v44 =	vadd.f32 v29, v31;
	v45 =	vmul.f32 v30, v30;
	v49 =	vld [tilespmem:s1+$0x10];
	(xrf2) =	vadd.scan.msk.f32 $0xffff, v40  }
0x1d7: {  	v42 =	vadd.f32 v43, v42;
	v36 =	vadd.f32 v33, v30;
	v40 =	vmul.f32 v33, v33;
	v50 =	vld [tilespmem:s1+$0x20]  }
0x1d8: {  	v35 =	vmul.f32 v35, v37;
	v41 =	vadd.f32 v41, v46;
	v43 =	vmul.f32 v38, v38;
	v46 =	vld [tilespmem:s1+$0x30]  }
0x1d9: {  	v37 =	vld [tilespmem:s1+$0xFFFFFF00];
	v51 =	vadd.f32 v47, v38;
	v52 =	vmul.f32 v47, v47;
	v40 =	vadd.f32 v40, v45;
	(xrf2) =	vadd.scan.msk.f32 $0xffff, v42  }
0x1da: {  	v23 =	vmul.f32 v28, v23;
	v42 =	vmul.f32 v48, v48  }
0x1db: {  	v36 =	vadd.f32 v51, v36;
	v45 =	vadd.f32 v49, v48;
	v51 =	vmul.f32 v49, v49  }
0x1dc: {  	v53 =	vmul.f32 v28, v20;
	v43 =	vadd.f32 v52, v43;
	v52 =	vmul.f32 v50, v50  }
0x1dd: {  	v54 =	vadd.f32 v46, v50;
	v55 =	vmul.f32 v46, v46;
	v42 =	vadd.f32 v51, v42;
	(xrf2) =	vadd.scan.msk.f32 $0xffff, v36  }
0x1de: {  	v40 =	vadd.f32 v43, v40;
	v36 =	vadd.f32 v39, v37;
	v51 =	vmul.f32 v37, v37;
	v20 =	vmovc v37  }
0x1df: {  	v37 =	vadd.f32 v54, v45;
	v43 =	vadd.f32 v55, v52;
	v45 =	vmul.f32 v28, v19;
	v19 =	vmovc v39  }
0x1e0: {  	v36 =	vadd.f32 v44, v36;
	v32 =	vadd.f32 v32, v51;
	v39, _, _ =	vpop (xrf2);
	v44 =	vmul.f32 v28, v9  }
0x1e1: {  	v51 =	vmul.f32 v34, v21;
	v9 =	vmovc v31;
	v42 =	vadd.f32 v43, v42;
	v43 =	vmul.f32 v28, v11  }
0x1e2: {  	v31 =	vmul.f32 v34, v10;
	v52 =	vperm.xlane v39, v0;
	v21 =	vadd.f32 v41, v32;
	(xrf2) =	vadd.scan.msk.f32 $0xffff, v36  }
0x1e3: {  	v39 =	vmul.f32 v34, v13;
	v32 =	vsub.f32 v53, v23;
	v36 =	vmul.f32 v34, v12;
	v10, _, _ =	vpop (xrf2)  }
0x1e4: {  	v11 =	vmovc v29;
	v41 =	vsub.f32 v45, v23;
	v28 =	vmul.f32 $1.562500000e-02, v52;
	v53 =	vperm.xlane v10, v0;
	v10 =	vmovc v30  }
0x1e5: {  	v22 =	vmul.f32 v35, v22;
	v29 =	vsub.f32 v44, v23;
	v30 =	vmul.f32 v34, v18;
	(xrf2) =	vadd.scan.msk.f32 $0xffff, v37  }
0x1e6: {  	v13 =	vmovc v38;
	v12 =	vmovc v33;
	v34 =	vmul.f32 v28, v28;
	v37 =	vsub.f32 v43, v23;
	v44 =	vmul.f32 $1.562500000e-02, v53  }
0x1e7: {  	v38 =	vmul.f32 v35, v15;
	v31 =	vsub.f32 v31, v51;
	v33 =	vmul.f32 v35, v14;
	v23, _, _ =	vpop (xrf2)  }
0x1e8: {  	v43 =	vperm.xlane v23, v0;
	v44 =	vsub.f32 v44, v34;
	(xrf2) =	vadd.scan.msk.f32 $0xffff, v21;
	v23 =	vmul.f32 v35, v16  }
0x1e9: {  	v18 =	vmovc v47;
	v34 =	vsub.f32 v36, v51;
	v36 =	vsub.f32 v39, v51;
	v35 =	vmul.f32 v35, v17  }
0x1ea: {  	v15 =	vmovc v49;
	v14 =	vmovc v48;
	v30 =	vsub.f32 v30, v51;
	v21 =	vmul.f32 $1.562500000e-02, v43;
	v39 =	vmax.f32 v44, $0.0e+00  }
0x1eb: {  	v32 =	vmul.f32 v32, v1;
	v33 =	vsub.f32 v33, v22;
	v16 =	vmovc v50;
	v45 =	vadd.f32 $9.999999740e-06, v39;
	(xrf2) =	vadd.scan.msk.f32 $0xffff, v40  }
0x1ec: {  	v38 =	vsub.f32 v38, v22;
	v43 =	vsub.f32 v23, v22;
	v39 =	vmul.f32 v21, v21;
	v40, _, _ =	vpop (xrf2)  }
0x1ed: {  	v17 =	vmovc v46;
	v23 =	vperm.xlane v40, v0;
	v40 =	vshra.s32 v45, $0x1;
	v44 =	vmul.f32 $5.000000000e-01, v45  }
0x1ee: {  	v41 =	vmul.f32 v41, v2;
	v35 =	vsub.f32 v35, v22;
	v40 =	vsub.s32 $0x5F3759DF, v40;
	(xrf2) =	vadd.scan.msk.f32 $0xffff, v42  }
0x1ef: {  	v47 =	vadd.f32 v32, v5;
	v23 =	vmul.f32 $1.562500000e-02, v23;
	v22 =	vmul.f32 v40, v44;
	v42, _, _ =	vpop (xrf2)  }
0x1f0: {  	v29 =	vmul.f32 v29, v3;
	v41 =	vadd.f32 v41, v6;
	v42 =	vperm.xlane v42, v0  }
0x1f1: {  	v45 =	vmul.f32 v23, v23;
	v46 =	vmul.f32 v40, v22;
	[tilespmem:s30+$0xFFFFFF80] =	vst v47  }
0x1f2: {  	v29 =	vadd.f32 v29, v7;
	v37 =	vmul.f32 v37, v4;
	v22 =	vmul.f32 $1.562500000e-02, v42;
	v32, _, _ =	vpop (xrf2);
	[tilespmem:s30+$0xFFFFFF90] =	vst v41  }
0x1f3: {  	v31 =	vmul.f32 v31, v1;
	v32 =	vperm.xlane v32, v0;
	v41 =	vsub.f32 $1.500000000e+00, v46  }
0x1f4: {  	v34 =	vmul.f32 v34, v2;
	v42 =	vmul.f32 v22, v22;
	[tilespmem:s30+$0xFFFFFFA0] =	vst v29;
	v29 =	vadd.f32 v37, v8  }
0x1f5: {  	v31 =	vadd.f32 v31, v5;
	v32 =	vmul.f32 $1.562500000e-02, v32;
	v37 =	vmul.f32 v40, v41;
	v40, _, _ =	vpop (xrf2)  }
0x1f6: {  	v41 =	vperm.xlane v40, v0;
	[tilespmem:s30+$0xFFFFFFB0] =	vst v29;
	v29 =	vadd.f32 v34, v6;
	v34 =	vmul.f32 v36, v3  }
0x1f7: {  	v32 =	vsub.f32 v32, v45;
	v36 =	vmul.f32 v37, v44;
	[tilespmem:s30+$0xFFFFFFC0] =	vst v31;
	v31 =	vmul.f32 v30, v4  }
0x1f8: {  	v30 =	vmul.f32 $1.562500000e-02, v41;
	v40, _, _ =	vpop (xrf2);
	[tilespmem:s30+$0xFFFFFFD0] =	vst v29;
	v29 =	vadd.f32 v34, v7;
	v41 =	vmul.f32 v33, v1  }
0x1f9: {  	v32 =	vmax.f32 v32, $0.0e+00;
	v33 =	vperm.xlane v40, v0;
	v34 =	vmul.f32 v36, v37  }
0x1fa: {  	v32 =	vadd.f32 $9.999999740e-06, v32;
	v36 =	vsub.f32 v30, v39;
	[tilespmem:s30+$0xFFFFFFE0] =	vst v29;
	v30 =	vmul.f32 v38, v2  }
0x1fb: {  	v29 =	vmul.f32 v43, v3;
	v33 =	vmul.f32 $1.562500000e-02, v33;
	v34 =	vsub.f32 $1.500000000e+00, v34  }
0x1fc: {  	v38 =	vshra.s32 v32, $0x1;
	v32 =	vmul.f32 $5.000000000e-01, v32;
	v36 =	vmax.f32 v36, $0.0e+00  }
0x1fd: {  	v36 =	vadd.f32 $9.999999740e-06, v36;
	v33 =	vsub.f32 v33, v42;
	v40 =	vmul.f32 v34, v37  }
0x1fe: {  	v42 =	vsub.s32 $0x5F3759DF, v38;
	v37 =	vadd.f32 v31, v8;
	v31 =	vmul.f32 v35, v4  }
0x1ff: {  	v35 =	vmax.f32 v33, $0.0e+00;
	v33 =	vmul.f32 v40, v28;
	v27 =	vmul.f32 v40, v27  }
0x200: {  	v28 =	vshra.s32 v36, $0x1;
	v34 =	vmul.f32 $5.000000000e-01, v36;
	v35 =	vadd.f32 $9.999999740e-06, v35;
	[tilespmem:s30+$0xFFFFFFF0] =	vst v37  }
0x201: {  	v37 =	vmul.f32 v42, v32;
	v36 =	vsub.s32 $0x5F3759DF, v28;
	v27 =	vsub.f32 v27, v33  }
0x202: {  	v28 =	vmul.f32 v36, v34;
	v38 =	vshra.s32 v35, $0x1;
	v35 =	vmul.f32 $5.000000000e-01, v35  }
.Ltmp1:
0x203: {  	v39 =	vmul.f32 v42, v37;
	v37 =	vsub.s32 $0x5F3759DF, v38;
	v27 =	vmul.f32 v27, v4;
	(pc) =	sbr.rel @p0 .LBB2_5-.Ltmp1, $4  }
0x204: {  	v41 =	vadd.f32 v41, v5;
	v28 =	vmul.f32 v36, v28;
	v43 =	vmul.f32 v37, v35  }
0x205: {  	v25 =	vmul.f32 v40, v25;
	v44 =	vsub.f32 $1.500000000e+00, v39;
	v45 =	vadd.f32 v27, v8  }
0x206: {  	v26 =	vmul.f32 v40, v26;
	s30 =	sadd.s32 $0x100, s30;
	v38 =	vsub.f32 $1.500000000e+00, v28;
	v39 =	vmul.f32 v37, v43;
	[tilespmem:s29+$0x0] =	vst v41  }
0x207: {  	s1 =	sadd.s32 $0x200, s1;
	v24 =	vmul.f32 v40, v24;
	v27 =	vsub.f32 v25, v33;
	v28 =	vmul.f32 v42, v44;
	[tilespmem:s30+$0x70] =	vst v45  }
0x208: {  	v36 =	vmul.f32 v36, v38  }
0x209: {  	v25 =	vsub.f32 $1.500000000e+00, v39;
	v32 =	vmul.f32 v28, v32  }
0x20a: {  	v34 =	vmul.f32 v36, v34  }
0x20b: {  	v25 =	vmul.f32 v37, v25;
	v32 =	vmul.f32 v32, v28  }
0x20c: {  	v26 =	vsub.f32 v26, v33;
	v55 =	vmul.f32 v34, v36  }
0x20d: {  	v24 =	vsub.f32 v24, v33;
	v35 =	vmul.f32 v25, v35;
	v32 =	vsub.f32 $1.500000000e+00, v32  }
0x20e: {  	v27 =	vmul.f32 v27, v1;
	v26 =	vmul.f32 v26, v2;
	v33 =	vsub.f32 $1.500000000e+00, v55  }
0x20f: {  	v30 =	vadd.f32 v30, v6;
	v56 =	vmul.f32 v35, v25;
	v57 =	vmul.f32 v32, v28  }
0x210: {  	v29 =	vadd.f32 v29, v7;
	v24 =	vmul.f32 v24, v3;
	v58 =	vmul.f32 v33, v36  }
0x211: {  	v34 =	vsub.f32 $1.500000000e+00, v56;
	v23 =	vmul.f32 v57, v23;
	v20 =	vmul.f32 v57, v20  }
0x212: {  	v31 =	vadd.f32 v31, v8;
	v19 =	vmul.f32 v57, v19;
	v9 =	vmul.f32 v57, v9  }
0x213: {  	v27 =	vadd.f32 v27, v5;
	v11 =	vmul.f32 v57, v11;
	v25 =	vmul.f32 v34, v25  }
0x214: {  	v26 =	vadd.f32 v26, v6;
	v21 =	vmul.f32 v58, v21;
	v10 =	vmul.f32 v58, v10  }
0x215: {  	v24 =	vadd.f32 v24, v7;
	v12 =	vmul.f32 v58, v12;
	v13 =	vmul.f32 v58, v13  }
0x216: {  	[tilespmem:s29+$0x10] =	vst v30;
	v18 =	vmul.f32 v58, v18;
	v20 =	vsub.f32 v20, v23;
	v19 =	vsub.f32 v19, v23  }
0x217: {  	[tilespmem:s29+$0x20] =	vst v29;
	v9 =	vsub.f32 v9, v23;
	v22 =	vmul.f32 v25, v22;
	v14 =	vmul.f32 v25, v14  }
0x218: {  	[tilespmem:s29+$0x30] =	vst v31;
	v11 =	vsub.f32 v11, v23;
	v15 =	vmul.f32 v25, v15;
	v20 =	vmul.f32 v20, v1  }
0x219: {  	[tilespmem:s30+$0x40] =	vst v27;
	v10 =	vsub.f32 v10, v21;
	v16 =	vmul.f32 v25, v16;
	v19 =	vmul.f32 v19, v2  }
0x21a: {  	[tilespmem:s30+$0x50] =	vst v26;
	v12 =	vsub.f32 v12, v21;
	v9 =	vmul.f32 v9, v3;
	v20 =	vadd.f32 v20, v5  }
0x21b: {  	[tilespmem:s30+$0x60] =	vst v24;
	v13 =	vsub.f32 v13, v21;
	v11 =	vmul.f32 v11, v4;
	v19 =	vadd.f32 v19, v6  }
0x21c: {  	v17 =	vmul.f32 v25, v17;
	v10 =	vmul.f32 v10, v1;
	v9 =	vadd.f32 v9, v7;
	[tilespmem:s30+$0xFFFFFF80] =	vst v20  }
0x21d: {  	v18 =	vsub.f32 v18, v21;
	v12 =	vmul.f32 v12, v2;
	v11 =	vadd.f32 v11, v8;
	[tilespmem:s30+$0xFFFFFF90] =	vst v19  }
0x21e: {  	v14 =	vsub.f32 v14, v22;
	[tilespmem:s30+$0xFFFFFFA0] =	vst v9;
	v9 =	vadd.f32 v10, v5;
	v10 =	vmul.f32 v13, v3  }
0x21f: {  	v59 =	vsub.f32 v15, v22;
	v60 =	vmul.f32 v18, v4;
	[tilespmem:s30+$0xFFFFFFB0] =	vst v11;
	v11 =	vadd.f32 v12, v6  }
0x220: {  	v61 =	vsub.f32 v16, v22;
	[tilespmem:s30+$0xFFFFFFC0] =	vst v9;
	v9 =	vadd.f32 v10, v7;
	v10 =	vmul.f32 v14, v1  }
0x221: {  	v62 =	vsub.f32 v17, v22;
	v12 =	vadd.f32 v60, v8;
	[tilespmem:s30+$0xFFFFFFD0] =	vst v11;
	v11 =	vmul.f32 v59, v2  }
0x222: {  	s26 =	sadd.s32 $0x1, s26;
	[tilespmem:s30+$0xFFFFFFE0] =	vst v9;
	v9 =	vmul.f32 v61, v3;
	v10 =	vadd.f32 v10, v5  }
0x223: {  	p0 =	sne.s32 s26, $0x32;
	v63 =	vmul.f32 v62, v4;
	[tilespmem:s30+$0xFFFFFFF0] =	vst v12;
	v11 =	vadd.f32 v11, v6  }
.Ltmp2:
0x224: {  	s1 =	sshll.u32 s28, $0xF;
	[tilespmem:s30+$0x0] =	vst v10;
	v9 =	vadd.f32 v9, v7;
	(pc) =	sbr.rel @p0 .LBB2_2-.Ltmp2, $4  }
0x225: {  	s1 =	sadd.s32 s8, s1;
	[tilespmem:s30+$0x10] =	vst v11;
	v10 =	vadd.f32 v63, v8  }
0x226: {  	s1 =	sshrl.u32 s1, $0x3;
	[tilespmem:s30+$0x20] =	vst v9  }
0x227: {  	s1 =	sadd.s32 s6, s1;
	[tilespmem:s30+$0x30] =	vst v10  }
0x228: {  	[hbm4b:s1+s19] =	stream.strided.scatter [tilespmem:s22], [sflag:$0x4], $0x4000, s13, s19, $0x38;
	[tilespmem:$0x1E480] =	vst v63  }
0x229: {  	s25 =	sadd.s32 $0x1, s25  }
0x22a: {  	_ =	swait.ge [sflag:s23], $0x4000;
	p0 =	sne.s32 s25, s9  }
.Ltmp3:
0x22b: {  	[sflag:s23] =	ssyncset.done $0x0;
	(pc) =	sbr.rel @p0 .LBB2_1-.Ltmp3, $4  }
0x22c: {  	[sflag:s23] =	ssyncadd.s32 $0xFFFFC000  }
0x22d: {  	_ =	swait.ge [sflag:s24], $0x4000  }
0x22e: {  	[sflag:s24] =	ssyncset.done $0x0  }
0x22f: {  	[sflag:s24] =	ssyncadd.s32 $0xFFFFC000  }
0x230: {  	_ =	sfence.sel $0x180000  }
0x231: {  	[bflag:$0x0] =	sbarrier.arrive $0xFFFF  }
0x232: {  	_ =	strace $0x90000047  }
0x233: {  	[bflag:$0x2] =	sbarrier.arrive $0xFFFF  }
0x234: {  	p0 =	sne.s32 s0, $0x0;
	s0 =	rddreg [dreg:$0x4]  }
0x235: {  	s0 =	sadd.s32 @!p0 $0x100000, s0  }
0x236: {  	[sflag:s0] =	ssyncadd.tile.s32 @!p0 $0x1;
	_ =	shalt  }
.Lfunc_end2:
_tile_overlayer_lowered:
.L_overlay_start_2:
0x237: {  	(tag) =	ssettag $0x2  }
0x238: {  	s0 =	rddreg [dreg:$0x0];
	s2 =	stileid.u32  }
0x239: {  	s1 =	rddreg [dreg:$0x1];
	p0 =	sne.s32 s2, $0x0  }
0x23a: {  	s3 =	rddreg [dreg:$0x2];
	[bflag:$0x3] =	sbarrier.arrive $0xFFFF;
	s2 =	simm.s32 @!p0 $0x1C05  }
0x23b: {  	[timem:s3], [sflag:s2] =	dma.local @!p0 [hbm:s0], s1  }
0x23c: {  	s0 =	simm.s32 @!p0 $0x5  }
0x23d: {  	_ =	swait.ge @!p0 [sflag:s0], s1  }
0x23e: {  	s1 =	ssub.s32 @!p0 $0x0, s1;
	[sflag:s0] =	ssyncset.done @!p0 $0x0  }
0x23f: {  	[sflag:s0] =	ssyncadd.s32 @!p0 s1  }
0x240: {  	[bflag:$0x3] =	sbarrier.arrive $0xFFFF  }
0x241: {  	_ =	shalt  }

// kernel: sparse-core-data-format-call.cloned.1.call-start
scs
called_computation_lowered:
.L_overlay_start_0:
0x0: {  	s2 =	sld [smem:$0x3FD9]  }
0x1: {  	s3 =	sld [smem:$0x3FFE];
	_ =	sdelay $0x1  }
0x2: {  	s1 =	srdreg.scid  }
0x3: {  	s0 =	sand.u32 $0x1, s1  }
0x4: {  	s18 =	sshll.u32 s0, $0xA;
	s2 =	sadd.s32 s3, s2  }
0x5: {  	s2 =	sadd.s32 s2, s18  }
0x6: {  	[smem:$0x3FC4] =	sst s2  }
0x7: {  	_ = 	snop  }
0x8: {  	s2 =	sld [smem:$0x3FD0];
	(tm) =	ssettm $0x1  }
0x9: {  	s19 =	sld [smem:$0x3FFB];
	_ =	sdelay $0x3  }
0xa: {  	_ =	strace s19  }
0xb: {  	s3 =	sld [smem:$0x3FFC];
	_ =	sdelay $0x3  }
0xc: {  	_ =	strace s3  }
0xd: {  	s3 =	sld [smem:$0x3FFD];
	_ =	sdelay $0x3  }
0xe: {  	_ =	strace s3  }
0xf: {  	_ =	strace $0x8FFFFFFF  }
0x10: {  	s20 =	sld [smem:$0x3FDB];
	_ =	sdelay $0x1  }
0x11: {  	s4 =	simm.s32 $_scs_section_size  }
0x12: {  	s5 =	simm.s32 $_size__tile_overlayer_lowered;
	s6 =	simm.s32 $_tile_overlayer_lowered  }
0x13: {  	s23 =	simm.s32 $0x1BFF;
	s22 =	sshll.u32 s6, $0x1;
	s3 =	sadd.s32 s4, s20  }
0x14: {  	s7 =	simm.s32 $0x0;
	s21 =	sshll.u32 s5, $0x1;
	s5 =	sadd.s32 s22, s3  }
0x15: {  	[timem:s7], [sflag:s23] =	dma.local [hbm:s5], s21  }
0x16: {  	_ =	swait.ge [sflag:s23], s21  }
0x17: {  	s4 =	ssub.s32 $0x0, s21;
	[sflag:s23] =	ssyncset.done $0x0  }
0x18: {  	[sflag:s23] =	ssyncadd.s32 s4;
	_ =	sdelay $0x1  }
0x19: {  	s24 =	simm.s32 $0x1B8B  }
0x1a: {  	_ =	swait.ge [sflag:s24], $0x1  }
0x1b: {  	[sflag:s24] =	ssyncset.done $0x0  }
0x1c: {  	s26 =	simm.s32 $0x1B8E;
	s25 =	sld [smem:$0x3FFE];
	[sflag:s24] =	ssyncadd.s32 $0xFFFFFFFF  }
0x1d: {  	s27 =	simm.s32 $execute0_lowered;
	[smem:$0x3FD2] =	sst s26  }
0x1e: {  	s5 =	sshll.u32 s27, $0x1;
	_ =	strace $0x80000049;
	[dreg:$0x1] =	wrdreg $0xFFFFFFFF  }
0x1f: {  	s28 =	simm.s32 $_size_execute0_lowered;
	s3 =	sadd.s32 s3, s5;
	[dreg:$0x0] =	wrdreg $0x0  }
0x20: {  	s5 =	sshll.u32 s28, $0x1;
	[dreg:$0x2] =	wrdreg s3  }
0x21: {  	[dreg:$0x3] =	wrdreg s5  }
0x22: {  	[dreg:$0x4] =	wrdreg $0xC0  }
0x23: {  	_ =	task [dreg:s7], $0x5FFFF  }
0x24: {  	[dreg:$0x1] =	wrdreg $0xFFFFFFFF  }
0x25: {  	[dreg:$0x0] =	wrdreg $0x60  }
0x26: {  	[dreg:$0x2] =	wrdreg s25  }
0x27: {  	[dreg:$0x3] =	wrdreg s2  }
0x28: {  	[dreg:$0x4] =	wrdreg $0x9  }
0x29: {  	_ =	task.clear_ibuf [dreg:s7], $0x5FFFF;
	_ =	strace $0x90000049  }
0x2a: {  	s29 =	simm.s32 $0x9;
	_ =	strace $0x8000004B  }
0x2b: {  	_ =	swait.ge [sflag:s29], $0x1  }
0x2c: {  	[sflag:s29] =	ssyncadd.s32 $0xFFFFFFFF  }
0x2d: {  	_ =	strace $0x9000004B  }
0x2e: {  	_ =	sfence  }
0x2f: {  	s30 =	sld [smem:$0x0];
	_ =	sdelay $0x2  }
0x30: {  	s31 =	sshll.u32 s1, $0xD;
	s1 =	sshrl.u32 s1, $0x2  }
0x31: {  	s3 =	sand.u32 $0x4000, s31;
	s1 =	sadd.s32 s1, s30  }
0x32: {  	s0 =	sor.u32 s3, s0;
	s1 =	sshll.u32 s1, $0x11  }
0x33: {  	s0 =	sor.u32 s1, s0  }
0x34: {  	s0 =	sadd.s32 $0x8F2B, s0  }
0x35: {  	[sflag:s0] =	ssyncadd.remote.s32 $0x1  }
0x36: {  	_ =	sfence.sel $0xFFFF  }
0x37: {  	[dreg:$0x0] =	wrdreg $0xFFFFFFFF;
	(pc) =	sbr.abs _section_cstart, $3  }
0x38: {  	[dreg:$0x1] =	wrdreg $0xFFFFFFFF  }
0x39: {  	_ =	task.clear_ibuf [dreg:s7], $0x2FFFF;
	_ =	strace $0x9FFFFFFF  }
0x3a: {  	(tm) =	ssettm $0x7FFFFFFF  }
0x3b: {  	_ =	shalt  }
tec
execute0_lowered:
.L_overlay_start_1:
0x0: {  	(tag) =	ssettag $0x1  }
0x1: {  	s0 =	srdreg.scid  }
0x2: {  	s1 =	sshll.u32 s0, $0x4  }
0x3: {  	s0 =	stileid.u32;
	s1 =	sand.u32 $0x10, s1  }
0x4: {  	s1 =	sor.u32 s0, s1  }
0x5: {  	s6 =	rddreg [dreg:$0x0];
	s4 =	simm.s32 $0x1;
	s2 =	sshll.u32 s1, $0x7  }
0x6: {  	s7 =	simm.s32 $0x2;
	s12 =	simm.s32 $0x0;
	s1 =	ssub.s32 $0x1000, s2  }
0x7: {  	s8 =	simm.s32 $0x8000;
	s13 =	simm.s32 $0x0;
	s3 =	sand.u32 $0xF80, s1  }
0x8: {  	s9 =	simm.s32 $0x0;
	s5 =	sshrl.u32 s1, $0xC;
	p0 =	sne.s32 s3, $0x0  }
.Ltmp0:
0x9: {  	s1 =	rddreg [dreg:$0x2];
	s4 =	simm.s32 @!p0 $0x0;
	(pc) =	sbr.rel .LBB1_1-.Ltmp0, $4  }
0xa: {  	s11 =	simm.s32 $0x0;
	s3 =	rddreg [dreg:$0x1];
	s5 =	sadd.s32 s4, s5  }
0xb: {  	_ =	strace $0x8000004A;
	s4 =	simm.s32 $0x1;
	s5 =	smul.u32 $0xC8, s5  }
0xc: {  	s6 =	sadd.s32 $0xF42C00, s6;
	s10 =	smov.u32 s2;
	[sflag:s4] =	ssyncpa.u1 $0x0  }
0xd: {  	p0 =	por $0x0, $0x0;
	[sflag:s7] =	ssyncpa.u1 $0x0;
	s7 =	sor.u32 $0x1, s5  }
.LBB1_4:
0xe: {  	s16 =	sshll.u32 s13, $0x3;
	s17 =	sand.u32 $0x78, s13  }
0xf: {  	s30 =	sand.u32 $0x7E00, s13;
	s12 =	sshll.u32 s12, $0xF;
	s16 =	sand.u32 $0xC00, s16  }
0x10: {  	[tilespmem:s15+$0x810 ss:$0x81] =	vst.msk $0xffff, v2;
	s31 =	sand.u32 $0x7, s13;
	s16 =	sor.u32 s17, s16;
	s17 =	sadd.s32 s3, s30  }
0x11: {  	[tilespmem:s15+$0x1020 ss:$0x81] =	vst.msk $0xffff, v0;
	s13 =	sshll.u32 s31, $0x12;
	s12 =	sadd.s32 s12, s17;
	s16 =	sshrl.u32 s16, $0x3  }
0x12: {  	[tilespmem:s15+$0x0 ss:$0x81] =	vst.msk $0xffff, v1;
	s13 =	sor.u32 $0x400, s13;
	s12 =	sadd.s32 s16, s12  }
0x13: {  	[hbm4b:s12+s13] =	stream.strided.scatter [tilespmem:s14], [sflag:$0x2], $0x2000, s8, s13, $0x20;
	[tilespmem:$0x8080] =	vst v63  }
.LBB1_5:
0x14: {  	s14 =	sadd.s32 $0x1, s9  }
0x15: {  	s12 =	sadd.s32 $0x1000, s10;
	s16 =	smov.u32 s10;
	p2 =	sgt.s32 s14, $0xC7  }
0x16: {  	s16 =	smov.u32 @p2 s12  }
0x17: {  	s14 =	simm.s32 @p2 $0x0;
	p2 =	sgt.s32 s16, $0xFFF  }
0x18: {  	s16 =	smov.u32 @p2 s2;
	p2 =	sne.s32 s11, s7  }
.Ltmp1:
0x19: {  	p1 =	slt.u32 s11, $0x2;
	(pc) =	sbr.rel @!p2 .LBB1_6-.Ltmp1, $4  }
0x1a: {  	s15 =	simm.s32 @!p1 $0x2  }
0x1b: {  	s13 =	smov.u32 s10;
	p0 =	por !p0, !p0;
	_ =	swait.ge @!p1 [sflag:s15], $0x2000  }
0x1c: {  	s12 =	smov.u32 s9;
	[sflag:s15] =	ssyncset.done @!p1 $0x0;
	s9 =	smov.u32 s14  }
0x1d: {  	s11 =	sadd.s32 $0x1, s11;
	[sflag:s15] =	ssyncadd.s32 @!p1 $0xFFFFE000;
	s10 =	smov.u32 s16  }
.LBB1_1:
0x1e: {  	p1 =	sge.u32 s11, s5  }
0x1f: {  	s14 =	sand.u32 @!p1 $0x1FFFFFF, s9  }
0x20: {  	s15 =	smulhi.u32 @!p1 $0x147AE15, s14;
	_ =	sdelay $0x1  }
0x21: {  	s15 =	smul.u32 @!p1 $0xC8, s15  }
0x22: {  	s16 =	sxor.u32 @!p1 $0xFFFFFFFF, s11;
	s17 =	smul.u32 @!p1 $0xC80, s10  }
0x23: {  	s31 =	sadd.s32 $0xFFFFFFFF, s11;
	s16 =	sshll.u32 @!p1 s16, $0xD;
	s14 =	ssub.s32 @!p1 s14, s15  }
0x24: {  	s15 =	sand.u32 @!p1 $0x2000, s16;
	s16 =	sadd.s32 @!p1 s6, s17;
	s14 =	sshll.u32 @!p1 s14, $0x4  }
0x25: {  	s17 =	simm.s32 @!p1 $0x6400;
	s14 =	sadd.s32 @!p1 s14, s16;
	s16 =	simm.s32 @!p1 $0x40  }
0x26: {  	[tilespmem:s15], [sflag:$0x1] =	stream.strided.gather @!p1 [hbm4b:s14+s16], $0x2000, s17, s16, $0x38;
	[tilespmem:$0x8080] =	vst v63  }
0x27: {  	p1 =	sge.u32 s31, s5  }
.Ltmp2:
0x28: {  	_ = 	snop;
	(pc) =	sbr.rel @p1 .LBB1_5-.Ltmp2, $1  }
0x29: {  	_ =	sdelay $0x3  }
0x2a: {  	s14 =	simm.s32 $0x1  }
0x2b: {  	_ =	swait.ge [sflag:s4], $0x2000;
	s14 =	simm.s32 @!p0 $0x0  }
0x2c: {  	[sflag:s4] =	ssyncset.done $0x0;
	s15 =	sshll.u32 s14, $0xD  }
0x2d: {  	[sflag:s4] =	ssyncadd.s32 $0xFFFFE000;
	s18 =	sor.u32 $0x20, s15  }
0x2e: {  	s14 =	smul.u32 $0x8100, s14;
	v3 =	vld [tilespmem:s18+$0x10]  }
0x2f: {  	s30 =	sand.u32 $0x1, s11;
	v2 =	vld [tilespmem:s18+$0xFFFFFFF0]  }
0x30: {  	s15 =	smul.u32 $0x8100, s30;
	s14 =	sshrl.u32 s14, $0x2;
	v0 =	vld [tilespmem:s18+$0x0]  }
0x31: {  	v1 =	vld [tilespmem:s18+$0xFFFFFFE0];
	s16 =	sor.u32 $0x4000, s14  }
0x32: {  	s31 =	sshrl.u32 s15, $0x2;
	s15 =	sadd.s32 $0x0, s16  }
0x33: {  	s17 =	simm.s32 $0x4;
	s18 =	sadd.s32 $0x40, s18;
	s14 =	sor.u32 $0x4000, s31;
	[tilespmem:s15+$0x1830 ss:$0x81] =	vst.msk $0xffff, v3  }
.LBB1_3:
0x34: {  	v3 =	vld [tilespmem:s18+$0x10];
	p1 =	sne.s32 s17, $0x1FC;
	[tilespmem:s15+$0x810 ss:$0x81] =	vst.msk $0xffff, v2;
	s19 =	smov.u32 s17;
	s17 =	sadd.s32 $0x4, s17  }
.Ltmp3:
0x35: {  	v2 =	vld [tilespmem:s18+$0xFFFFFFF0];
	[tilespmem:s15+$0x1020 ss:$0x81] =	vst.msk $0xffff, v0;
	(pc) =	sbr.rel @p1 .LBB1_3-.Ltmp3, $4  }
0x36: {  	v0 =	vld [tilespmem:s18+$0x0];
	[tilespmem:s15+$0x0 ss:$0x81] =	vst.msk $0xffff, v1  }
0x37: {  	s15 =	sshra.s32 s19, $0x2;
	v1 =	vld [tilespmem:s18+$0xFFFFFFE0]  }
0x38: {  	s15 =	sadd.s32 s15, s16  }
0x39: {  	s18 =	sadd.s32 $0x40, s18;
	[tilespmem:s15+$0x1830 ss:$0x81] =	vst.msk $0xffff, v3  }
.Ltmp4:
0x3a: {  	_ = 	snop;
	(pc) =	sbr.rel .LBB1_4-.Ltmp4, $1  }
0x3b: {  	_ =	sdelay $0x3  }
.LBB1_6:
0x3c: {  	_ =	sfence.sel $0x180000  }
0x3d: {  	s2 =	simm.s32 $0x1;
	[bflag:$0x0] =	sbarrier.arrive $0xFFFF  }
0x3e: {  	s31 =	simm.s32 $0x2;
	[sflag:s2] =	ssyncpa.u1 $0x1  }
0x3f: {  	[sflag:s31] =	ssyncpa.u1 $0x1  }
0x40: {  	p0 =	sne.s32 s0, $0x0;
	_ =	strace $0x9000004A  }
0x41: {  	s0 =	sadd.s32 @!p0 $0x100000, s1;
	[bflag:$0x2] =	sbarrier.arrive $0xFFFF  }
0x42: {  	[sflag:s0] =	ssyncadd.tile.s32 @!p0 $0x1;
	_ =	shalt  }
.Lfunc_end1:
_tile_overlayer_lowered:
.L_overlay_start_2:
0x43: {  	(tag) =	ssettag $0x2  }
0x44: {  	s0 =	rddreg [dreg:$0x0];
	s2 =	stileid.u32  }
0x45: {  	s1 =	rddreg [dreg:$0x1];
	p0 =	sne.s32 s2, $0x0  }
0x46: {  	s3 =	rddreg [dreg:$0x2];
	[bflag:$0x3] =	sbarrier.arrive $0xFFFF;
	s2 =	simm.s32 @!p0 $0x1C01  }
0x47: {  	[timem:s3], [sflag:s2] =	dma.local @!p0 [hbm:s0], s1  }
0x48: {  	s0 =	simm.s32 @!p0 $0x1  }
0x49: {  	_ =	swait.ge @!p0 [sflag:s0], s1  }
0x4a: {  	s1 =	ssub.s32 @!p0 $0x0, s1;
	[sflag:s0] =	ssyncset.done @!p0 $0x0  }
0x4b: {  	[sflag:s0] =	ssyncadd.s32 @!p0 s1  }
0x4c: {  	[bflag:$0x3] =	sbarrier.arrive $0xFFFF  }
0x4d: {  	_ =	shalt  }

</sc_bundles>
